<compile_context>
chip_gen: v7x
topology: tpu7x:2x2x1
jax: 0.10.2.dev20260603
libtpu: 0.0.44.dev20260713+nightly
codegen_flags: <defaults>
</compile_context>

<pallas_src>
import functools

import jax
import jax.numpy as jnp
from jax import lax
from jax.experimental import pallas as pl
from jax.experimental.pallas import tpu as pltpu
from jax.experimental.pallas import tpu_sc as plsc

N = 10000
F = 128
NC, NS = 2, 16
NW = NC * NS
EB = 128
NBATCH = 79
E_PAD = NW * NBATCH * EB
NPAD = 10240
RPT = NPAD // NS
BR = 1024
GRID = NPAD // BR

def _mesh():
    return plsc.VectorSubcoreMesh(
        core_axis_name="c", subcore_axis_name="s",
        num_cores=NC, num_subcores=NS)


def _deg_body(dst_hbm, degp_hbm, dstv, degv):
    c = lax.axis_index("c")
    s = lax.axis_index("s")
    wid = c * NS + s
    pltpu.sync_copy(dst_hbm.at[wid], dstv)

    def zero(i, carry):
        degv[pl.ds(i * 16, 16)] = jnp.zeros((16,), jnp.float32)
        return carry
    lax.fori_loop(0, NPAD // 16, zero, 0)

    ones = jnp.ones((16,), jnp.float32)

    def acc(i, carry):
        idx = dstv[pl.ds(i * 16, 16)]
        plsc.addupdate_scatter(degv, [idx], ones)
        return carry
    lax.fori_loop(0, (NBATCH * EB) // 16, acc, 0)
    pltpu.sync_copy(degv, degp_hbm.at[wid])


def _sc_degree(dst2):
    return pl.kernel(
        _deg_body,
        out_type=jax.ShapeDtypeStruct((NW, NPAD), jnp.float32),
        mesh=_mesh(),
        compiler_params=pltpu.CompilerParams(needs_layout_passes=False),
        scratch_types=[
            pltpu.VMEM((NBATCH * EB,), jnp.int32),
            pltpu.VMEM((NPAD,), jnp.float32),
        ],
    )(dst2)


def _agg_body(table_hbm, src_hbm, dst_hbm, zeros_hbm, out_hbm,
              srcv, dstv, rows0, aggs, semg0):
    c = lax.axis_index("c")
    s = lax.axis_index("s")
    wid = c * NS + s
    pltpu.sync_copy(zeros_hbm, aggs.at[pl.ds(s * RPT, RPT)])
    pltpu.sync_copy(src_hbm.at[wid], srcv)
    pltpu.sync_copy(dst_hbm.at[wid], dstv)
    plsc.subcore_barrier()

    def step(j, carry):
        pltpu.async_copy(table_hbm.at[srcv.at[j]], rows0, semg0).wait()
        pltpu.sync_copy(rows0, aggs.at[dstv.at[j]], add=True)
        return carry
    lax.fori_loop(0, NBATCH, step, 0)
    plsc.subcore_barrier()
    pltpu.sync_copy(aggs.at[pl.ds(s * RPT, RPT)],
                    out_hbm.at[c, pl.ds(s * RPT, RPT)])


def _sc_aggregate(table, src3, dst3, zrows):
    return pl.kernel(
        _agg_body,
        out_type=jax.ShapeDtypeStruct((NC, NPAD, F), jnp.float32),
        mesh=_mesh(),
        scratch_types=[
            pltpu.VMEM((NBATCH, EB), jnp.int32),
            pltpu.VMEM((NBATCH, EB), jnp.int32),
            pltpu.VMEM((EB, F), jnp.float32),
            pltpu.VMEM_SHARED((NPAD, F), jnp.float32),
            pltpu.SemaphoreType.DMA,
        ],
    )(table, src3, dst3, zrows)


def _pass1_body(degp_ref, x_ref, xs_ref, dinv_ref):
    i = pl.program_id(0)
    deg = jnp.sum(degp_ref[...], axis=0) + 1.0
    row = lax.broadcasted_iota(jnp.int32, (BR,), 0) + i * BR
    dinv = jnp.where(row < N, lax.rsqrt(deg), 0.0)
    dinv_ref[...] = dinv
    xs_ref[...] = x_ref[...] * dinv[:, None]


def _tc_pass1(degp, xpad):
    return pl.pallas_call(
        _pass1_body,
        grid=(GRID,),
        in_specs=[
            pl.BlockSpec((NW, BR), lambda i: (0, i)),
            pl.BlockSpec((BR, F), lambda i: (i, 0)),
        ],
        out_specs=[
            pl.BlockSpec((BR, F), lambda i: (i, 0)),
            pl.BlockSpec((BR,), lambda i: (i,)),
        ],
        out_shape=[
            jax.ShapeDtypeStruct((NPAD, F), jnp.float32),
            jax.ShapeDtypeStruct((NPAD,), jnp.float32),
        ],
    )(degp, xpad)


def _pass2_body(a0_ref, a1_ref, xs_ref, dinv_ref, w1_ref, b1_ref, w2_ref,
                g2_ref):
    dinv = dinv_ref[...]
    sx = (a0_ref[...] + a1_ref[...] + xs_ref[...]) * dinv[:, None]
    h1 = jnp.dot(sx, w1_ref[...], preferred_element_type=jnp.float32)
    h1 = jnp.maximum(h1 + b1_ref[...][None, :], 0.0)
    g2 = jnp.dot(h1, w2_ref[...], preferred_element_type=jnp.float32)
    g2_ref[...] = g2 * dinv[:, None]


def _tc_pass2(a0, a1, xs, dinv, w1, b1, w2):
    d1, d2 = w1.shape[0], w1.shape[1]
    return pl.pallas_call(
        _pass2_body,
        grid=(GRID,),
        in_specs=[
            pl.BlockSpec((BR, F), lambda i: (i, 0)),
            pl.BlockSpec((BR, F), lambda i: (i, 0)),
            pl.BlockSpec((BR, F), lambda i: (i, 0)),
            pl.BlockSpec((BR,), lambda i: (i,)),
            pl.BlockSpec((d1, d2), lambda i: (0, 0)),
            pl.BlockSpec((d2,), lambda i: (0,)),
            pl.BlockSpec((d2, F), lambda i: (0, 0)),
        ],
        out_specs=pl.BlockSpec((BR, F), lambda i: (i, 0)),
        out_shape=jax.ShapeDtypeStruct((NPAD, F), jnp.float32),
    )(a0, a1, xs, dinv, w1, b1, w2)


def _pass3_body(a0_ref, a1_ref, g2_ref, dinv_ref, b2_ref, out_ref):
    dinv = dinv_ref[...]
    acc = (a0_ref[...] + a1_ref[...] + g2_ref[...]) * dinv[:, None]
    out_ref[...] = jnp.maximum(acc + b2_ref[...][None, :], 0.0)


def _tc_pass3(a0, a1, g2, dinv, b2):
    return pl.pallas_call(
        _pass3_body,
        grid=(GRID,),
        in_specs=[
            pl.BlockSpec((BR, F), lambda i: (i, 0)),
            pl.BlockSpec((BR, F), lambda i: (i, 0)),
            pl.BlockSpec((BR, F), lambda i: (i, 0)),
            pl.BlockSpec((BR,), lambda i: (i,)),
            pl.BlockSpec((F,), lambda i: (0,)),
        ],
        out_specs=pl.BlockSpec((BR, F), lambda i: (i, 0)),
        out_shape=jax.ShapeDtypeStruct((NPAD, F), jnp.float32),
    )(a0, a1, g2, dinv, b2)


@jax.jit
def _run(x, edge_index, W1, b1, W2, b2):
    src = edge_index[0].astype(jnp.int32)
    dst = edge_index[1].astype(jnp.int32)
    npad_e = E_PAD - src.shape[0]
    padv = jnp.full((npad_e,), N, jnp.int32)
    pad_dst = N + (jnp.arange(npad_e, dtype=jnp.int32) % (NPAD - N))
    src_p = jnp.concatenate([src, padv])
    dst_p = jnp.concatenate([dst, pad_dst])
    src3 = src_p.reshape(NW, NBATCH, EB)
    dst3 = dst_p.reshape(NW, NBATCH, EB)
    dst2 = dst_p.reshape(NW, NBATCH * EB)
    xpad = jnp.concatenate(
        [x.astype(jnp.float32), jnp.zeros((NPAD - N, F), jnp.float32)])
    zrows = jnp.zeros((RPT, F), jnp.float32)

    degp = _sc_degree(dst2)
    xs, dinv = _tc_pass1(degp, xpad)
    agg1 = _sc_aggregate(xs, src3, dst3, zrows)
    g2 = _tc_pass2(agg1[0], agg1[1], xs, dinv, W1, b1, W2)
    agg2 = _sc_aggregate(g2, src3, dst3, zrows)
    out = _tc_pass3(agg2[0], agg2[1], g2, dinv, b2)
    return out[:N]


def kernel(x, edge_index, W1, b1, W2, b2):
    return _run(x, edge_index, W1, b1, W2, b2)

# --- scband reference (transcript-rebuilt; emitter-appended) ---
"""Pipeline reference for scband-gcn-51522427683145 (READ-ONLY COPY).

The authoritative reference and input builder live on the scoring server;
editing this copy changes nothing except your own understanding.
"""

import jax, jax.numpy as jnp
import numpy as np

N_NODES = 10000
N_EDGES = 320000
DIM_LIST = [128, 256, 128]


def glorot(key, shape):
    limit = jnp.sqrt(6.0 / (shape[0] + shape[1]))
    return jax.random.uniform(key, shape, minval=-limit, maxval=limit, dtype=jnp.float32)


def setup_inputs(seed: int = 0) -> dict:
    key = jax.random.key(seed)
    k_x, k_ei, k_w1, k_w2 = jax.random.split(key, 4)
    x = jax.random.normal(k_x, (N_NODES, DIM_LIST[0]), dtype=jnp.float32)
    edge_index = jax.random.randint(k_ei, (2, N_EDGES), 0, N_NODES, dtype=jnp.int64)
    W1 = glorot(k_w1, (DIM_LIST[0], DIM_LIST[1]))
    b1 = jnp.zeros((DIM_LIST[1],), dtype=jnp.float32)
    W2 = glorot(k_w2, (DIM_LIST[1], DIM_LIST[2]))
    b2 = jnp.zeros((DIM_LIST[2],), dtype=jnp.float32)
    return {"x": x, "edge_index": edge_index, "W1": W1, "b1": b1, "W2": W2, "b2": b2}


def gcn_conv(x, edge_index, W, b):
    # PyG GCNConv: symmetric normalization with self-loops
    N = x.shape[0]
    loop = jnp.arange(N, dtype=edge_index.dtype)
    src = jnp.concatenate([edge_index[0], loop])
    dst = jnp.concatenate([edge_index[1], loop])
    ew = jnp.ones(src.shape[0], dtype=x.dtype)
    deg = jnp.zeros((N,), dtype=x.dtype).at[dst].add(ew)
    deg_inv_sqrt = jnp.where(deg > 0, 1.0 / jnp.sqrt(deg), 0.0)
    norm = deg_inv_sqrt[src] * ew * deg_inv_sqrt[dst]
    h = x @ W
    msg = h[src] * norm[:, None]
    out = jnp.zeros((N, W.shape[1]), dtype=x.dtype).at[dst].add(msg)
    return out + b


def reference(x, edge_index, W1, b1, W2, b2):
    # layer 1 + relu (dropout p=0.0 in eval -> identity)
    h = gcn_conv(x, edge_index, W1, b1)
    h = jax.nn.relu(h)
    # layer 2 + relu (last layer, no dropout)
    h = gcn_conv(h, edge_index, W2, b2)
    h = jax.nn.relu(h)
    return h

if __name__ == "__main__":
    import jax
    _d = setup_inputs()
    print(jax.jit(kernel)(*tuple(_d.values())))

</pallas_src>

<mosaic_0001>
#map = affine_map<(d0, d1) -> (0, 0)>
module attributes {stable_mosaic.version = 14 : i64} {
  func.func @_deg_body(%arg0: i32, %arg1: i32, %arg2: memref<32x10112xi32, #tpu.memory_space<hbm>>, %arg3: memref<32x10240xf32, #tpu.memory_space<hbm>>, %arg4: memref<10112xi32, #tpu.memory_space<vmem>>, %arg5: memref<10240xf32, #tpu.memory_space<vmem>>) attributes {dimension_semantics = [#tpu.dimension_semantics<core_parallel>, #tpu.dimension_semantics<subcore_parallel>], iteration_bounds = array<i64: 2, 16>, scalar_prefetch = 0 : i64, scratch_operands = 2 : i64, tpu.core_type = #tpu.core_type<sc_vector_subcore>, window_params = [{transform_indices = #map}, {transform_indices = #map}]} {
    %mul3A = arith.constant 16 : i32
    %mul3A_0 = arith.muli %arg0, %mul3A : i32
    %add3A = arith.addi %mul3A_0, %arg1 : i32
    "tpu.region"() ({
      %run_scoped3A = tpu.sem_alloc : memref<!tpu.dma_semaphore, #tpu.memory_space<semaphore_mem>>
      %dma_start3A = arith.constant 0 : i32
      %dma_start3A_13 = tpu.memref_slice %arg2[%add3A, %dma_start3A] : memref<32x10112xi32, #tpu.memory_space<hbm>> -> memref<1x10112xi32, #tpu.memory_space<hbm>>
      %dma_start3A_14 = tpu.memref_squeeze %dma_start3A_13 : memref<1x10112xi32, #tpu.memory_space<hbm>> -> memref<10112xi32, #tpu.memory_space<hbm>>
      %dma_start3A_15 = arith.constant 0 : i32
      %dma_start3A_16 = tpu.memref_slice %arg2[%add3A, %dma_start3A_15] : memref<32x10112xi32, #tpu.memory_space<hbm>> -> memref<1x10112xi32, #tpu.memory_space<hbm>>
      %dma_start3A_17 = tpu.memref_squeeze %dma_start3A_16 : memref<1x10112xi32, #tpu.memory_space<hbm>> -> memref<10112xi32, #tpu.memory_space<hbm>>
      tpu.enqueue_dma source(%dma_start3A_17 : memref<10112xi32, #tpu.memory_space<hbm>>) target(%arg4 : memref<10112xi32, #tpu.memory_space<vmem>>) target_semaphore(%run_scoped3A : memref<!tpu.dma_semaphore, #tpu.memory_space<semaphore_mem>>)
      %dma_wait3A = arith.constant 0 : i32
      %dma_wait3A_18 = tpu.memref_slice %arg2[%add3A, %dma_wait3A] : memref<32x10112xi32, #tpu.memory_space<hbm>> -> memref<1x10112xi32, #tpu.memory_space<hbm>>
      %dma_wait3A_19 = tpu.memref_squeeze %dma_wait3A_18 : memref<1x10112xi32, #tpu.memory_space<hbm>> -> memref<10112xi32, #tpu.memory_space<hbm>>
      %dma_wait3A_20 = arith.constant 0 : i32
      %dma_wait3A_21 = tpu.memref_slice %arg2[%add3A, %dma_wait3A_20] : memref<32x10112xi32, #tpu.memory_space<hbm>> -> memref<1x10112xi32, #tpu.memory_space<hbm>>
      %dma_wait3A_22 = tpu.memref_squeeze %dma_wait3A_21 : memref<1x10112xi32, #tpu.memory_space<hbm>> -> memref<10112xi32, #tpu.memory_space<hbm>>
      tpu.wait_dma2 semaphore(%run_scoped3A : memref<!tpu.dma_semaphore, #tpu.memory_space<semaphore_mem>>) src(%dma_wait3A_22 : memref<10112xi32, #tpu.memory_space<hbm>>) dst(%arg4 : memref<10112xi32, #tpu.memory_space<vmem>>)
      tpu.yield
    }) : () -> ()
    %scan3A = arith.constant 0 : i32
    %scan3A_1 = arith.constant 0 : i32
    %scan3A_2 = arith.constant 640 : i32
    %scan3A_3 = arith.addi %scan3A_1, %scan3A_2 : i32
    %scan3A_4 = arith.constant 1 : i32
    scf.for %scan3A_13 = %scan3A_1 to %scan3A_3 step %scan3A_4  : i32 {
      %broadcast_in_dim3A_14 = arith.constant 0.000000e+00 : f32
      %broadcast_in_dim3A_15 = vector.broadcast %broadcast_in_dim3A_14 : f32 to vector<16xf32>
      %mul3A_16 = arith.constant 16 : i32
      %mul3A_17 = arith.muli %scan3A_13, %mul3A_16 : i32
      %swap3A = arith.index_cast %mul3A_17 : i32 to index
      %swap3A_18 = tpu.vector_load %arg5[%swap3A] {strides = array<i32>} : memref<10240xf32, #tpu.memory_space<vmem>>, vector<16xf32>,
      tpu.vector_store %arg5[%swap3A], %broadcast_in_dim3A_15 {strides = array<i32>} : memref<10240xf32, #tpu.memory_space<vmem>>, vector<16xf32>,
    }
    %scan3A_5 = arith.constant 640 : i32
    %broadcast_in_dim3A = arith.constant 1.000000e+00 : f32
    %broadcast_in_dim3A_6 = vector.broadcast %broadcast_in_dim3A : f32 to vector<16xf32>
    %scan3A_7 = arith.constant 0 : i32
    %scan3A_8 = arith.constant 0 : i32
    %scan3A_9 = arith.constant 632 : i32
    %scan3A_10 = arith.addi %scan3A_8, %scan3A_9 : i32
    %scan3A_11 = arith.constant 1 : i32
    scf.for %scan3A_13 = %scan3A_8 to %scan3A_10 step %scan3A_11  : i32 {
      %mul3A_14 = arith.constant 16 : i32
      %mul3A_15 = arith.muli %scan3A_13, %mul3A_14 : i32
      %get3A = arith.index_cast %mul3A_15 : i32 to index
      %get3A_16 = tpu.vector_load %arg4[%get3A] {strides = array<i32>} : memref<10112xi32, #tpu.memory_space<vmem>>, vector<16xi32>,
      tpu.vector_store_idx %arg5[%get3A_16], %broadcast_in_dim3A_6 {add = true} : memref<10240xf32, #tpu.memory_space<vmem>>[vector<16xi32>], vector<16xf32>,
    }
    %scan3A_12 = arith.constant 632 : i32
    "tpu.region"() ({
      %run_scoped3A = tpu.sem_alloc : memref<!tpu.dma_semaphore, #tpu.memory_space<semaphore_mem>>
      %dma_start3A = arith.constant 0 : i32
      %dma_start3A_13 = tpu.memref_slice %arg3[%add3A, %dma_start3A] : memref<32x10240xf32, #tpu.memory_space<hbm>> -> memref<1x10240xf32, #tpu.memory_space<hbm>>
      %dma_start3A_14 = tpu.memref_squeeze %dma_start3A_13 : memref<1x10240xf32, #tpu.memory_space<hbm>> -> memref<10240xf32, #tpu.memory_space<hbm>>
      %dma_start3A_15 = arith.constant 0 : i32
      %dma_start3A_16 = tpu.memref_slice %arg3[%add3A, %dma_start3A_15] : memref<32x10240xf32, #tpu.memory_space<hbm>> -> memref<1x10240xf32, #tpu.memory_space<hbm>>
      %dma_start3A_17 = tpu.memref_squeeze %dma_start3A_16 : memref<1x10240xf32, #tpu.memory_space<hbm>> -> memref<10240xf32, #tpu.memory_space<hbm>>
      tpu.enqueue_dma source(%arg5 : memref<10240xf32, #tpu.memory_space<vmem>>) target(%dma_start3A_17 : memref<10240xf32, #tpu.memory_space<hbm>>) target_semaphore(%run_scoped3A : memref<!tpu.dma_semaphore, #tpu.memory_space<semaphore_mem>>)
      %dma_wait3A = arith.constant 0 : i32
      %dma_wait3A_18 = tpu.memref_slice %arg3[%add3A, %dma_wait3A] : memref<32x10240xf32, #tpu.memory_space<hbm>> -> memref<1x10240xf32, #tpu.memory_space<hbm>>
      %dma_wait3A_19 = tpu.memref_squeeze %dma_wait3A_18 : memref<1x10240xf32, #tpu.memory_space<hbm>> -> memref<10240xf32, #tpu.memory_space<hbm>>
      %dma_wait3A_20 = arith.constant 0 : i32
      %dma_wait3A_21 = tpu.memref_slice %arg3[%add3A, %dma_wait3A_20] : memref<32x10240xf32, #tpu.memory_space<hbm>> -> memref<1x10240xf32, #tpu.memory_space<hbm>>
      %dma_wait3A_22 = tpu.memref_squeeze %dma_wait3A_21 : memref<1x10240xf32, #tpu.memory_space<hbm>> -> memref<10240xf32, #tpu.memory_space<hbm>>
      tpu.wait_dma2 semaphore(%run_scoped3A : memref<!tpu.dma_semaphore, #tpu.memory_space<semaphore_mem>>) src(%arg5 : memref<10240xf32, #tpu.memory_space<vmem>>) dst(%dma_wait3A_22 : memref<10240xf32, #tpu.memory_space<hbm>>)
      tpu.yield
    }) : () -> ()
    return
  }
}

#map = affine_map<(d0, d1) -> (0, 0)>
#map1 = affine_map<(d0, d1) -> (0, 0, 0)>
module attributes {stable_mosaic.version = 14 : i64} {
  func.func @_agg_body(%arg0: i32, %arg1: i32, %arg2: memref<10240x128xf32, #tpu.memory_space<hbm>>, %arg3: memref<32x79x128xi32, #tpu.memory_space<hbm>>, %arg4: memref<32x79x128xi32, #tpu.memory_space<hbm>>, %arg5: memref<640x128xf32, #tpu.memory_space<hbm>>, %arg6: memref<2x10240x128xf32, #tpu.memory_space<hbm>>, %arg7: memref<79x128xi32, #tpu.memory_space<vmem>>, %arg8: memref<79x128xi32, #tpu.memory_space<vmem>>, %arg9: memref<128x128xf32, #tpu.memory_space<vmem>>, %arg10: memref<10240x128xf32, #tpu.memory_space<vmem_shared>>, %arg11: memref<!tpu.dma_semaphore, #tpu.memory_space<semaphore_mem>>) attributes {dimension_semantics = [#tpu.dimension_semantics<core_parallel>, #tpu.dimension_semantics<subcore_parallel>], iteration_bounds = array<i64: 2, 16>, scalar_prefetch = 0 : i64, scratch_operands = 5 : i64, tpu.core_type = #tpu.core_type<sc_vector_subcore>, window_params = [{transform_indices = #map}, {transform_indices = #map1}, {transform_indices = #map1}, {transform_indices = #map}, {transform_indices = #map1}]} {
    %mul3A = arith.constant 16 : i32
    %mul3A_0 = arith.muli %arg0, %mul3A : i32
    %add3A = arith.addi %mul3A_0, %arg1 : i32
    %mul3A_1 = arith.constant 640 : i32
    %mul3A_2 = arith.muli %arg1, %mul3A_1 : i32
    "tpu.region"() ({
      %run_scoped3A = tpu.sem_alloc : memref<!tpu.dma_semaphore, #tpu.memory_space<semaphore_mem>>
      %dma_start3A = arith.constant 0 : i32
      %dma_start3A_13 = tpu.memref_slice %arg10[%mul3A_2, %dma_start3A] : memref<10240x128xf32, #tpu.memory_space<vmem_shared>> -> memref<640x128xf32, #tpu.memory_space<vmem_shared>>
      tpu.enqueue_dma source(%arg5 : memref<640x128xf32, #tpu.memory_space<hbm>>) target(%dma_start3A_13 : memref<640x128xf32, #tpu.memory_space<vmem_shared>>) target_semaphore(%run_scoped3A : memref<!tpu.dma_semaphore, #tpu.memory_space<semaphore_mem>>)
      %dma_wait3A = arith.constant 0 : i32
      %dma_wait3A_14 = tpu.memref_slice %arg10[%mul3A_2, %dma_wait3A] : memref<10240x128xf32, #tpu.memory_space<vmem_shared>> -> memref<640x128xf32, #tpu.memory_space<vmem_shared>>
      tpu.wait_dma2 semaphore(%run_scoped3A : memref<!tpu.dma_semaphore, #tpu.memory_space<semaphore_mem>>) src(%arg5 : memref<640x128xf32, #tpu.memory_space<hbm>>) dst(%dma_wait3A_14 : memref<640x128xf32, #tpu.memory_space<vmem_shared>>)
      tpu.yield
    }) : () -> ()
    "tpu.region"() ({
      %run_scoped3A = tpu.sem_alloc : memref<!tpu.dma_semaphore, #tpu.memory_space<semaphore_mem>>
      %dma_start3A = arith.constant 0 : i32
      %dma_start3A_13 = arith.constant 0 : i32
      %dma_start3A_14 = tpu.memref_slice %arg3[%add3A, %dma_start3A, %dma_start3A_13] : memref<32x79x128xi32, #tpu.memory_space<hbm>> -> memref<1x79x128xi32, #tpu.memory_space<hbm>>
      %dma_start3A_15 = tpu.memref_squeeze %dma_start3A_14 : memref<1x79x128xi32, #tpu.memory_space<hbm>> -> memref<79x128xi32, #tpu.memory_space<hbm>>
      %dma_start3A_16 = arith.constant 0 : i32
      %dma_start3A_17 = arith.constant 0 : i32
      %dma_start3A_18 = tpu.memref_slice %arg3[%add3A, %dma_start3A_16, %dma_start3A_17] : memref<32x79x128xi32, #tpu.memory_space<hbm>> -> memref<1x79x128xi32, #tpu.memory_space<hbm>>
      %dma_start3A_19 = tpu.memref_squeeze %dma_start3A_18 : memref<1x79x128xi32, #tpu.memory_space<hbm>> -> memref<79x128xi32, #tpu.memory_space<hbm>>
      tpu.enqueue_dma source(%dma_start3A_19 : memref<79x128xi32, #tpu.memory_space<hbm>>) target(%arg7 : memref<79x128xi32, #tpu.memory_space<vmem>>) target_semaphore(%run_scoped3A : memref<!tpu.dma_semaphore, #tpu.memory_space<semaphore_mem>>)
      %dma_wait3A = arith.constant 0 : i32
      %dma_wait3A_20 = arith.constant 0 : i32
      %dma_wait3A_21 = tpu.memref_slice %arg3[%add3A, %dma_wait3A, %dma_wait3A_20] : memref<32x79x128xi32, #tpu.memory_space<hbm>> -> memref<1x79x128xi32, #tpu.memory_space<hbm>>
      %dma_wait3A_22 = tpu.memref_squeeze %dma_wait3A_21 : memref<1x79x128xi32, #tpu.memory_space<hbm>> -> memref<79x128xi32, #tpu.memory_space<hbm>>
      %dma_wait3A_23 = arith.constant 0 : i32
      %dma_wait3A_24 = arith.constant 0 : i32
      %dma_wait3A_25 = tpu.memref_slice %arg3[%add3A, %dma_wait3A_23, %dma_wait3A_24] : memref<32x79x128xi32, #tpu.memory_space<hbm>> -> memref<1x79x128xi32, #tpu.memory_space<hbm>>
      %dma_wait3A_26 = tpu.memref_squeeze %dma_wait3A_25 : memref<1x79x128xi32, #tpu.memory_space<hbm>> -> memref<79x128xi32, #tpu.memory_space<hbm>>
      tpu.wait_dma2 semaphore(%run_scoped3A : memref<!tpu.dma_semaphore, #tpu.memory_space<semaphore_mem>>) src(%dma_wait3A_26 : memref<79x128xi32, #tpu.memory_space<hbm>>) dst(%arg7 : memref<79x128xi32, #tpu.memory_space<vmem>>)
      tpu.yield
    }) : () -> ()
    "tpu.region"() ({
      %run_scoped3A = tpu.sem_alloc : memref<!tpu.dma_semaphore, #tpu.memory_space<semaphore_mem>>
      %dma_start3A = arith.constant 0 : i32
      %dma_start3A_13 = arith.constant 0 : i32
      %dma_start3A_14 = tpu.memref_slice %arg4[%add3A, %dma_start3A, %dma_start3A_13] : memref<32x79x128xi32, #tpu.memory_space<hbm>> -> memref<1x79x128xi32, #tpu.memory_space<hbm>>
      %dma_start3A_15 = tpu.memref_squeeze %dma_start3A_14 : memref<1x79x128xi32, #tpu.memory_space<hbm>> -> memref<79x128xi32, #tpu.memory_space<hbm>>
      %dma_start3A_16 = arith.constant 0 : i32
      %dma_start3A_17 = arith.constant 0 : i32
      %dma_start3A_18 = tpu.memref_slice %arg4[%add3A, %dma_start3A_16, %dma_start3A_17] : memref<32x79x128xi32, #tpu.memory_space<hbm>> -> memref<1x79x128xi32, #tpu.memory_space<hbm>>
      %dma_start3A_19 = tpu.memref_squeeze %dma_start3A_18 : memref<1x79x128xi32, #tpu.memory_space<hbm>> -> memref<79x128xi32, #tpu.memory_space<hbm>>
      tpu.enqueue_dma source(%dma_start3A_19 : memref<79x128xi32, #tpu.memory_space<hbm>>) target(%arg8 : memref<79x128xi32, #tpu.memory_space<vmem>>) target_semaphore(%run_scoped3A : memref<!tpu.dma_semaphore, #tpu.memory_space<semaphore_mem>>)
      %dma_wait3A = arith.constant 0 : i32
      %dma_wait3A_20 = arith.constant 0 : i32
      %dma_wait3A_21 = tpu.memref_slice %arg4[%add3A, %dma_wait3A, %dma_wait3A_20] : memref<32x79x128xi32, #tpu.memory_space<hbm>> -> memref<1x79x128xi32, #tpu.memory_space<hbm>>
      %dma_wait3A_22 = tpu.memref_squeeze %dma_wait3A_21 : memref<1x79x128xi32, #tpu.memory_space<hbm>> -> memref<79x128xi32, #tpu.memory_space<hbm>>
      %dma_wait3A_23 = arith.constant 0 : i32
      %dma_wait3A_24 = arith.constant 0 : i32
      %dma_wait3A_25 = tpu.memref_slice %arg4[%add3A, %dma_wait3A_23, %dma_wait3A_24] : memref<32x79x128xi32, #tpu.memory_space<hbm>> -> memref<1x79x128xi32, #tpu.memory_space<hbm>>
      %dma_wait3A_26 = tpu.memref_squeeze %dma_wait3A_25 : memref<1x79x128xi32, #tpu.memory_space<hbm>> -> memref<79x128xi32, #tpu.memory_space<hbm>>
      tpu.wait_dma2 semaphore(%run_scoped3A : memref<!tpu.dma_semaphore, #tpu.memory_space<semaphore_mem>>) src(%dma_wait3A_26 : memref<79x128xi32, #tpu.memory_space<hbm>>) dst(%arg8 : memref<79x128xi32, #tpu.memory_space<vmem>>)
      tpu.yield
    }) : () -> ()
    %barrier3A = arith.constant 0 : index
    tpu.barrier barrier_id(%barrier3A)
    %scan3A = arith.constant 0 : i32
    %scan3A_3 = arith.constant 0 : i32
    %scan3A_4 = arith.constant 79 : i32
    %scan3A_5 = arith.addi %scan3A_3, %scan3A_4 : i32
    %scan3A_6 = arith.constant 1 : i32
    scf.for %scan3A_13 = %scan3A_3 to %scan3A_5 step %scan3A_6  : i32 {
      %dma_start3A = arith.constant 0 : i32
      %dma_start3A_14 = tpu.memref_slice %arg7[%scan3A_13, %dma_start3A] : memref<79x128xi32, #tpu.memory_space<vmem>> -> memref<1x128xi32, #tpu.memory_space<vmem>>
      %dma_start3A_15 = tpu.memref_squeeze %dma_start3A_14 : memref<1x128xi32, #tpu.memory_space<vmem>> -> memref<128xi32, #tpu.memory_space<vmem>>
      %dma_start3A_16 = arith.constant 0 : i32
      %dma_start3A_17 = arith.constant 0 : i32
      %dma_start3A_18 = tpu.memref_slice %arg2[%dma_start3A_16, %dma_start3A_17] : memref<10240x128xf32, #tpu.memory_space<hbm>> -> memref<10240x128xf32, #tpu.memory_space<hbm>>
      tpu.enqueue_indirect_dma source(%dma_start3A_18 : memref<10240x128xf32, #tpu.memory_space<hbm>>) target(%arg9 : memref<128x128xf32, #tpu.memory_space<vmem>>) offsets(%dma_start3A_15 : memref<128xi32, #tpu.memory_space<vmem>>) semaphore(%arg11 : memref<!tpu.dma_semaphore, #tpu.memory_space<semaphore_mem>>)
      %dma_wait3A = arith.constant 0 : i32
      %dma_wait3A_19 = tpu.memref_slice %arg7[%scan3A_13, %dma_wait3A] : memref<79x128xi32, #tpu.memory_space<vmem>> -> memref<1x128xi32, #tpu.memory_space<vmem>>
      %dma_wait3A_20 = tpu.memref_squeeze %dma_wait3A_19 : memref<1x128xi32, #tpu.memory_space<vmem>> -> memref<128xi32, #tpu.memory_space<vmem>>
      %dma_wait3A_21 = arith.constant 0 : i32
      %dma_wait3A_22 = arith.constant 0 : i32
      %dma_wait3A_23 = tpu.memref_slice %arg2[%dma_wait3A_21, %dma_wait3A_22] : memref<10240x128xf32, #tpu.memory_space<hbm>> -> memref<10240x128xf32, #tpu.memory_space<hbm>>
      tpu.wait_indirect_dma semaphore(%arg11 : memref<!tpu.dma_semaphore, #tpu.memory_space<semaphore_mem>>) src(%dma_wait3A_23 : memref<10240x128xf32, #tpu.memory_space<hbm>>) dst(%arg9 : memref<128x128xf32, #tpu.memory_space<vmem>>)
      "tpu.region"() ({
        %run_scoped3A = tpu.sem_alloc : memref<!tpu.dma_semaphore, #tpu.memory_space<semaphore_mem>>
        %dma_start3A_24 = arith.constant 0 : i32
        %dma_start3A_25 = tpu.memref_slice %arg8[%scan3A_13, %dma_start3A_24] : memref<79x128xi32, #tpu.memory_space<vmem>> -> memref<1x128xi32, #tpu.memory_space<vmem>>
        %dma_start3A_26 = tpu.memref_squeeze %dma_start3A_25 : memref<1x128xi32, #tpu.memory_space<vmem>> -> memref<128xi32, #tpu.memory_space<vmem>>
        %dma_start3A_27 = arith.constant 0 : i32
        %dma_start3A_28 = arith.constant 0 : i32
        %dma_start3A_29 = tpu.memref_slice %arg10[%dma_start3A_27, %dma_start3A_28] : memref<10240x128xf32, #tpu.memory_space<vmem_shared>> -> memref<10240x128xf32, #tpu.memory_space<vmem_shared>>
        tpu.enqueue_indirect_dma source(%arg9 : memref<128x128xf32, #tpu.memory_space<vmem>>) target(%dma_start3A_29 : memref<10240x128xf32, #tpu.memory_space<vmem_shared>>) offsets(%dma_start3A_26 : memref<128xi32, #tpu.memory_space<vmem>>) semaphore(%run_scoped3A : memref<!tpu.dma_semaphore, #tpu.memory_space<semaphore_mem>>) {add = true}
        %dma_wait3A_30 = arith.constant 0 : i32
        %dma_wait3A_31 = tpu.memref_slice %arg8[%scan3A_13, %dma_wait3A_30] : memref<79x128xi32, #tpu.memory_space<vmem>> -> memref<1x128xi32, #tpu.memory_space<vmem>>
        %dma_wait3A_32 = tpu.memref_squeeze %dma_wait3A_31 : memref<1x128xi32, #tpu.memory_space<vmem>> -> memref<128xi32, #tpu.memory_space<vmem>>
        %dma_wait3A_33 = arith.constant 0 : i32
        %dma_wait3A_34 = arith.constant 0 : i32
        %dma_wait3A_35 = tpu.memref_slice %arg10[%dma_wait3A_33, %dma_wait3A_34] : memref<10240x128xf32, #tpu.memory_space<vmem_shared>> -> memref<10240x128xf32, #tpu.memory_space<vmem_shared>>
        tpu.wait_indirect_dma semaphore(%run_scoped3A : memref<!tpu.dma_semaphore, #tpu.memory_space<semaphore_mem>>) src(%arg9 : memref<128x128xf32, #tpu.memory_space<vmem>>) dst(%dma_wait3A_35 : memref<10240x128xf32, #tpu.memory_space<vmem_shared>>)
        tpu.yield
      }) : () -> ()
    }
    %scan3A_7 = arith.constant 79 : i32
    %barrier3A_8 = arith.constant 0 : index
    tpu.barrier barrier_id(%barrier3A_8)
    %mul3A_9 = arith.constant 640 : i32
    %mul3A_10 = arith.muli %arg1, %mul3A_9 : i32
    %mul3A_11 = arith.constant 640 : i32
    %mul3A_12 = arith.muli %arg1, %mul3A_11 : i32
    "tpu.region"() ({
      %run_scoped3A = tpu.sem_alloc : memref<!tpu.dma_semaphore, #tpu.memory_space<semaphore_mem>>
      %dma_start3A = arith.constant 0 : i32
      %dma_start3A_13 = tpu.memref_slice %arg6[%arg0, %mul3A_12, %dma_start3A] : memref<2x10240x128xf32, #tpu.memory_space<hbm>> -> memref<1x640x128xf32, #tpu.memory_space<hbm>>
      %dma_start3A_14 = tpu.memref_squeeze %dma_start3A_13 : memref<1x640x128xf32, #tpu.memory_space<hbm>> -> memref<640x128xf32, #tpu.memory_space<hbm>>
      %dma_start3A_15 = arith.constant 0 : i32
      %dma_start3A_16 = tpu.memref_slice %arg10[%mul3A_10, %dma_start3A_15] : memref<10240x128xf32, #tpu.memory_space<vmem_shared>> -> memref<640x128xf32, #tpu.memory_space<vmem_shared>>
      tpu.enqueue_dma source(%dma_start3A_16 : memref<640x128xf32, #tpu.memory_space<vmem_shared>>) target(%dma_start3A_14 : memref<640x128xf32, #tpu.memory_space<hbm>>) target_semaphore(%run_scoped3A : memref<!tpu.dma_semaphore, #tpu.memory_space<semaphore_mem>>)
      %dma_wait3A = arith.constant 0 : i32
      %dma_wait3A_17 = tpu.memref_slice %arg6[%arg0, %mul3A_12, %dma_wait3A] : memref<2x10240x128xf32, #tpu.memory_space<hbm>> -> memref<1x640x128xf32, #tpu.memory_space<hbm>>
      %dma_wait3A_18 = tpu.memref_squeeze %dma_wait3A_17 : memref<1x640x128xf32, #tpu.memory_space<hbm>> -> memref<640x128xf32, #tpu.memory_space<hbm>>
      %dma_wait3A_19 = arith.constant 0 : i32
      %dma_wait3A_20 = tpu.memref_slice %arg10[%mul3A_10, %dma_wait3A_19] : memref<10240x128xf32, #tpu.memory_space<vmem_shared>> -> memref<640x128xf32, #tpu.memory_space<vmem_shared>>
      tpu.wait_dma2 semaphore(%run_scoped3A : memref<!tpu.dma_semaphore, #tpu.memory_space<semaphore_mem>>) src(%dma_wait3A_20 : memref<640x128xf32, #tpu.memory_space<vmem_shared>>) dst(%dma_wait3A_18 : memref<640x128xf32, #tpu.memory_space<hbm>>)
      tpu.yield
    }) : () -> ()
    return
  }
}

#map = affine_map<(d0, d1) -> (0, 0)>
#map1 = affine_map<(d0, d1) -> (0, 0, 0)>
module attributes {stable_mosaic.version = 14 : i64} {
  func.func @_agg_body(%arg0: i32, %arg1: i32, %arg2: memref<10240x128xf32, #tpu.memory_space<hbm>>, %arg3: memref<32x79x128xi32, #tpu.memory_space<hbm>>, %arg4: memref<32x79x128xi32, #tpu.memory_space<hbm>>, %arg5: memref<640x128xf32, #tpu.memory_space<hbm>>, %arg6: memref<2x10240x128xf32, #tpu.memory_space<hbm>>, %arg7: memref<79x128xi32, #tpu.memory_space<vmem>>, %arg8: memref<79x128xi32, #tpu.memory_space<vmem>>, %arg9: memref<128x128xf32, #tpu.memory_space<vmem>>, %arg10: memref<10240x128xf32, #tpu.memory_space<vmem_shared>>, %arg11: memref<!tpu.dma_semaphore, #tpu.memory_space<semaphore_mem>>) attributes {dimension_semantics = [#tpu.dimension_semantics<core_parallel>, #tpu.dimension_semantics<subcore_parallel>], iteration_bounds = array<i64: 2, 16>, scalar_prefetch = 0 : i64, scratch_operands = 5 : i64, tpu.core_type = #tpu.core_type<sc_vector_subcore>, window_params = [{transform_indices = #map}, {transform_indices = #map1}, {transform_indices = #map1}, {transform_indices = #map}, {transform_indices = #map1}]} {
    %mul3A = arith.constant 16 : i32
    %mul3A_0 = arith.muli %arg0, %mul3A : i32
    %add3A = arith.addi %mul3A_0, %arg1 : i32
    %mul3A_1 = arith.constant 640 : i32
    %mul3A_2 = arith.muli %arg1, %mul3A_1 : i32
    "tpu.region"() ({
      %run_scoped3A = tpu.sem_alloc : memref<!tpu.dma_semaphore, #tpu.memory_space<semaphore_mem>>
      %dma_start3A = arith.constant 0 : i32
      %dma_start3A_13 = tpu.memref_slice %arg10[%mul3A_2, %dma_start3A] : memref<10240x128xf32, #tpu.memory_space<vmem_shared>> -> memref<640x128xf32, #tpu.memory_space<vmem_shared>>
      tpu.enqueue_dma source(%arg5 : memref<640x128xf32, #tpu.memory_space<hbm>>) target(%dma_start3A_13 : memref<640x128xf32, #tpu.memory_space<vmem_shared>>) target_semaphore(%run_scoped3A : memref<!tpu.dma_semaphore, #tpu.memory_space<semaphore_mem>>)
      %dma_wait3A = arith.constant 0 : i32
      %dma_wait3A_14 = tpu.memref_slice %arg10[%mul3A_2, %dma_wait3A] : memref<10240x128xf32, #tpu.memory_space<vmem_shared>> -> memref<640x128xf32, #tpu.memory_space<vmem_shared>>
      tpu.wait_dma2 semaphore(%run_scoped3A : memref<!tpu.dma_semaphore, #tpu.memory_space<semaphore_mem>>) src(%arg5 : memref<640x128xf32, #tpu.memory_space<hbm>>) dst(%dma_wait3A_14 : memref<640x128xf32, #tpu.memory_space<vmem_shared>>)
      tpu.yield
    }) : () -> ()
    "tpu.region"() ({
      %run_scoped3A = tpu.sem_alloc : memref<!tpu.dma_semaphore, #tpu.memory_space<semaphore_mem>>
      %dma_start3A = arith.constant 0 : i32
      %dma_start3A_13 = arith.constant 0 : i32
      %dma_start3A_14 = tpu.memref_slice %arg3[%add3A, %dma_start3A, %dma_start3A_13] : memref<32x79x128xi32, #tpu.memory_space<hbm>> -> memref<1x79x128xi32, #tpu.memory_space<hbm>>
      %dma_start3A_15 = tpu.memref_squeeze %dma_start3A_14 : memref<1x79x128xi32, #tpu.memory_space<hbm>> -> memref<79x128xi32, #tpu.memory_space<hbm>>
      %dma_start3A_16 = arith.constant 0 : i32
      %dma_start3A_17 = arith.constant 0 : i32
      %dma_start3A_18 = tpu.memref_slice %arg3[%add3A, %dma_start3A_16, %dma_start3A_17] : memref<32x79x128xi32, #tpu.memory_space<hbm>> -> memref<1x79x128xi32, #tpu.memory_space<hbm>>
      %dma_start3A_19 = tpu.memref_squeeze %dma_start3A_18 : memref<1x79x128xi32, #tpu.memory_space<hbm>> -> memref<79x128xi32, #tpu.memory_space<hbm>>
      tpu.enqueue_dma source(%dma_start3A_19 : memref<79x128xi32, #tpu.memory_space<hbm>>) target(%arg7 : memref<79x128xi32, #tpu.memory_space<vmem>>) target_semaphore(%run_scoped3A : memref<!tpu.dma_semaphore, #tpu.memory_space<semaphore_mem>>)
      %dma_wait3A = arith.constant 0 : i32
      %dma_wait3A_20 = arith.constant 0 : i32
      %dma_wait3A_21 = tpu.memref_slice %arg3[%add3A, %dma_wait3A, %dma_wait3A_20] : memref<32x79x128xi32, #tpu.memory_space<hbm>> -> memref<1x79x128xi32, #tpu.memory_space<hbm>>
      %dma_wait3A_22 = tpu.memref_squeeze %dma_wait3A_21 : memref<1x79x128xi32, #tpu.memory_space<hbm>> -> memref<79x128xi32, #tpu.memory_space<hbm>>
      %dma_wait3A_23 = arith.constant 0 : i32
      %dma_wait3A_24 = arith.constant 0 : i32
      %dma_wait3A_25 = tpu.memref_slice %arg3[%add3A, %dma_wait3A_23, %dma_wait3A_24] : memref<32x79x128xi32, #tpu.memory_space<hbm>> -> memref<1x79x128xi32, #tpu.memory_space<hbm>>
      %dma_wait3A_26 = tpu.memref_squeeze %dma_wait3A_25 : memref<1x79x128xi32, #tpu.memory_space<hbm>> -> memref<79x128xi32, #tpu.memory_space<hbm>>
      tpu.wait_dma2 semaphore(%run_scoped3A : memref<!tpu.dma_semaphore, #tpu.memory_space<semaphore_mem>>) src(%dma_wait3A_26 : memref<79x128xi32, #tpu.memory_space<hbm>>) dst(%arg7 : memref<79x128xi32, #tpu.memory_space<vmem>>)
      tpu.yield
    }) : () -> ()
    "tpu.region"() ({
      %run_scoped3A = tpu.sem_alloc : memref<!tpu.dma_semaphore, #tpu.memory_space<semaphore_mem>>
      %dma_start3A = arith.constant 0 : i32
      %dma_start3A_13 = arith.constant 0 : i32
      %dma_start3A_14 = tpu.memref_slice %arg4[%add3A, %dma_start3A, %dma_start3A_13] : memref<32x79x128xi32, #tpu.memory_space<hbm>> -> memref<1x79x128xi32, #tpu.memory_space<hbm>>
      %dma_start3A_15 = tpu.memref_squeeze %dma_start3A_14 : memref<1x79x128xi32, #tpu.memory_space<hbm>> -> memref<79x128xi32, #tpu.memory_space<hbm>>
      %dma_start3A_16 = arith.constant 0 : i32
      %dma_start3A_17 = arith.constant 0 : i32
      %dma_start3A_18 = tpu.memref_slice %arg4[%add3A, %dma_start3A_16, %dma_start3A_17] : memref<32x79x128xi32, #tpu.memory_space<hbm>> -> memref<1x79x128xi32, #tpu.memory_space<hbm>>
      %dma_start3A_19 = tpu.memref_squeeze %dma_start3A_18 : memref<1x79x128xi32, #tpu.memory_space<hbm>> -> memref<79x128xi32, #tpu.memory_space<hbm>>
      tpu.enqueue_dma source(%dma_start3A_19 : memref<79x128xi32, #tpu.memory_space<hbm>>) target(%arg8 : memref<79x128xi32, #tpu.memory_space<vmem>>) target_semaphore(%run_scoped3A : memref<!tpu.dma_semaphore, #tpu.memory_space<semaphore_mem>>)
      %dma_wait3A = arith.constant 0 : i32
      %dma_wait3A_20 = arith.constant 0 : i32
      %dma_wait3A_21 = tpu.memref_slice %arg4[%add3A, %dma_wait3A, %dma_wait3A_20] : memref<32x79x128xi32, #tpu.memory_space<hbm>> -> memref<1x79x128xi32, #tpu.memory_space<hbm>>
      %dma_wait3A_22 = tpu.memref_squeeze %dma_wait3A_21 : memref<1x79x128xi32, #tpu.memory_space<hbm>> -> memref<79x128xi32, #tpu.memory_space<hbm>>
      %dma_wait3A_23 = arith.constant 0 : i32
      %dma_wait3A_24 = arith.constant 0 : i32
      %dma_wait3A_25 = tpu.memref_slice %arg4[%add3A, %dma_wait3A_23, %dma_wait3A_24] : memref<32x79x128xi32, #tpu.memory_space<hbm>> -> memref<1x79x128xi32, #tpu.memory_space<hbm>>
      %dma_wait3A_26 = tpu.memref_squeeze %dma_wait3A_25 : memref<1x79x128xi32, #tpu.memory_space<hbm>> -> memref<79x128xi32, #tpu.memory_space<hbm>>
      tpu.wait_dma2 semaphore(%run_scoped3A : memref<!tpu.dma_semaphore, #tpu.memory_space<semaphore_mem>>) src(%dma_wait3A_26 : memref<79x128xi32, #tpu.memory_space<hbm>>) dst(%arg8 : memref<79x128xi32, #tpu.memory_space<vmem>>)
      tpu.yield
    }) : () -> ()
    %barrier3A = arith.constant 0 : index
    tpu.barrier barrier_id(%barrier3A)
    %scan3A = arith.constant 0 : i32
    %scan3A_3 = arith.constant 0 : i32
    %scan3A_4 = arith.constant 79 : i32
    %scan3A_5 = arith.addi %scan3A_3, %scan3A_4 : i32
    %scan3A_6 = arith.constant 1 : i32
    scf.for %scan3A_13 = %scan3A_3 to %scan3A_5 step %scan3A_6  : i32 {
      %dma_start3A = arith.constant 0 : i32
      %dma_start3A_14 = tpu.memref_slice %arg7[%scan3A_13, %dma_start3A] : memref<79x128xi32, #tpu.memory_space<vmem>> -> memref<1x128xi32, #tpu.memory_space<vmem>>
      %dma_start3A_15 = tpu.memref_squeeze %dma_start3A_14 : memref<1x128xi32, #tpu.memory_space<vmem>> -> memref<128xi32, #tpu.memory_space<vmem>>
      %dma_start3A_16 = arith.constant 0 : i32
      %dma_start3A_17 = arith.constant 0 : i32
      %dma_start3A_18 = tpu.memref_slice %arg2[%dma_start3A_16, %dma_start3A_17] : memref<10240x128xf32, #tpu.memory_space<hbm>> -> memref<10240x128xf32, #tpu.memory_space<hbm>>
      tpu.enqueue_indirect_dma source(%dma_start3A_18 : memref<10240x128xf32, #tpu.memory_space<hbm>>) target(%arg9 : memref<128x128xf32, #tpu.memory_space<vmem>>) offsets(%dma_start3A_15 : memref<128xi32, #tpu.memory_space<vmem>>) semaphore(%arg11 : memref<!tpu.dma_semaphore, #tpu.memory_space<semaphore_mem>>)
      %dma_wait3A = arith.constant 0 : i32
      %dma_wait3A_19 = tpu.memref_slice %arg7[%scan3A_13, %dma_wait3A] : memref<79x128xi32, #tpu.memory_space<vmem>> -> memref<1x128xi32, #tpu.memory_space<vmem>>
      %dma_wait3A_20 = tpu.memref_squeeze %dma_wait3A_19 : memref<1x128xi32, #tpu.memory_space<vmem>> -> memref<128xi32, #tpu.memory_space<vmem>>
      %dma_wait3A_21 = arith.constant 0 : i32
      %dma_wait3A_22 = arith.constant 0 : i32
      %dma_wait3A_23 = tpu.memref_slice %arg2[%dma_wait3A_21, %dma_wait3A_22] : memref<10240x128xf32, #tpu.memory_space<hbm>> -> memref<10240x128xf32, #tpu.memory_space<hbm>>
      tpu.wait_indirect_dma semaphore(%arg11 : memref<!tpu.dma_semaphore, #tpu.memory_space<semaphore_mem>>) src(%dma_wait3A_23 : memref<10240x128xf32, #tpu.memory_space<hbm>>) dst(%arg9 : memref<128x128xf32, #tpu.memory_space<vmem>>)
      "tpu.region"() ({
        %run_scoped3A = tpu.sem_alloc : memref<!tpu.dma_semaphore, #tpu.memory_space<semaphore_mem>>
        %dma_start3A_24 = arith.constant 0 : i32
        %dma_start3A_25 = tpu.memref_slice %arg8[%scan3A_13, %dma_start3A_24] : memref<79x128xi32, #tpu.memory_space<vmem>> -> memref<1x128xi32, #tpu.memory_space<vmem>>
        %dma_start3A_26 = tpu.memref_squeeze %dma_start3A_25 : memref<1x128xi32, #tpu.memory_space<vmem>> -> memref<128xi32, #tpu.memory_space<vmem>>
        %dma_start3A_27 = arith.constant 0 : i32
        %dma_start3A_28 = arith.constant 0 : i32
        %dma_start3A_29 = tpu.memref_slice %arg10[%dma_start3A_27, %dma_start3A_28] : memref<10240x128xf32, #tpu.memory_space<vmem_shared>> -> memref<10240x128xf32, #tpu.memory_space<vmem_shared>>
        tpu.enqueue_indirect_dma source(%arg9 : memref<128x128xf32, #tpu.memory_space<vmem>>) target(%dma_start3A_29 : memref<10240x128xf32, #tpu.memory_space<vmem_shared>>) offsets(%dma_start3A_26 : memref<128xi32, #tpu.memory_space<vmem>>) semaphore(%run_scoped3A : memref<!tpu.dma_semaphore, #tpu.memory_space<semaphore_mem>>) {add = true}
        %dma_wait3A_30 = arith.constant 0 : i32
        %dma_wait3A_31 = tpu.memref_slice %arg8[%scan3A_13, %dma_wait3A_30] : memref<79x128xi32, #tpu.memory_space<vmem>> -> memref<1x128xi32, #tpu.memory_space<vmem>>
        %dma_wait3A_32 = tpu.memref_squeeze %dma_wait3A_31 : memref<1x128xi32, #tpu.memory_space<vmem>> -> memref<128xi32, #tpu.memory_space<vmem>>
        %dma_wait3A_33 = arith.constant 0 : i32
        %dma_wait3A_34 = arith.constant 0 : i32
        %dma_wait3A_35 = tpu.memref_slice %arg10[%dma_wait3A_33, %dma_wait3A_34] : memref<10240x128xf32, #tpu.memory_space<vmem_shared>> -> memref<10240x128xf32, #tpu.memory_space<vmem_shared>>
        tpu.wait_indirect_dma semaphore(%run_scoped3A : memref<!tpu.dma_semaphore, #tpu.memory_space<semaphore_mem>>) src(%arg9 : memref<128x128xf32, #tpu.memory_space<vmem>>) dst(%dma_wait3A_35 : memref<10240x128xf32, #tpu.memory_space<vmem_shared>>)
        tpu.yield
      }) : () -> ()
    }
    %scan3A_7 = arith.constant 79 : i32
    %barrier3A_8 = arith.constant 0 : index
    tpu.barrier barrier_id(%barrier3A_8)
    %mul3A_9 = arith.constant 640 : i32
    %mul3A_10 = arith.muli %arg1, %mul3A_9 : i32
    %mul3A_11 = arith.constant 640 : i32
    %mul3A_12 = arith.muli %arg1, %mul3A_11 : i32
    "tpu.region"() ({
      %run_scoped3A = tpu.sem_alloc : memref<!tpu.dma_semaphore, #tpu.memory_space<semaphore_mem>>
      %dma_start3A = arith.constant 0 : i32
      %dma_start3A_13 = tpu.memref_slice %arg6[%arg0, %mul3A_12, %dma_start3A] : memref<2x10240x128xf32, #tpu.memory_space<hbm>> -> memref<1x640x128xf32, #tpu.memory_space<hbm>>
      %dma_start3A_14 = tpu.memref_squeeze %dma_start3A_13 : memref<1x640x128xf32, #tpu.memory_space<hbm>> -> memref<640x128xf32, #tpu.memory_space<hbm>>
      %dma_start3A_15 = arith.constant 0 : i32
      %dma_start3A_16 = tpu.memref_slice %arg10[%mul3A_10, %dma_start3A_15] : memref<10240x128xf32, #tpu.memory_space<vmem_shared>> -> memref<640x128xf32, #tpu.memory_space<vmem_shared>>
      tpu.enqueue_dma source(%dma_start3A_16 : memref<640x128xf32, #tpu.memory_space<vmem_shared>>) target(%dma_start3A_14 : memref<640x128xf32, #tpu.memory_space<hbm>>) target_semaphore(%run_scoped3A : memref<!tpu.dma_semaphore, #tpu.memory_space<semaphore_mem>>)
      %dma_wait3A = arith.constant 0 : i32
      %dma_wait3A_17 = tpu.memref_slice %arg6[%arg0, %mul3A_12, %dma_wait3A] : memref<2x10240x128xf32, #tpu.memory_space<hbm>> -> memref<1x640x128xf32, #tpu.memory_space<hbm>>
      %dma_wait3A_18 = tpu.memref_squeeze %dma_wait3A_17 : memref<1x640x128xf32, #tpu.memory_space<hbm>> -> memref<640x128xf32, #tpu.memory_space<hbm>>
      %dma_wait3A_19 = arith.constant 0 : i32
      %dma_wait3A_20 = tpu.memref_slice %arg10[%mul3A_10, %dma_wait3A_19] : memref<10240x128xf32, #tpu.memory_space<vmem_shared>> -> memref<640x128xf32, #tpu.memory_space<vmem_shared>>
      tpu.wait_dma2 semaphore(%run_scoped3A : memref<!tpu.dma_semaphore, #tpu.memory_space<semaphore_mem>>) src(%dma_wait3A_20 : memref<640x128xf32, #tpu.memory_space<vmem_shared>>) dst(%dma_wait3A_18 : memref<640x128xf32, #tpu.memory_space<hbm>>)
      tpu.yield
    }) : () -> ()
    return
  }
}

module attributes {stable_mosaic.version = 14 : i64} {
  func.func @_pass1_body(%arg0: i32, %arg1: memref<32x1024xf32, #tpu.memory_space<vmem>>, %arg2: memref<1024x128xf32, #tpu.memory_space<vmem>>, %arg3: memref<1024x128xf32, #tpu.memory_space<vmem>>, %arg4: memref<1024xf32, #tpu.memory_space<vmem>>) attributes {dimension_semantics = [#tpu.dimension_semantics<arbitrary>], iteration_bounds = array<i64: 10>, scalar_prefetch = 0 : i64, scratch_operands = 0 : i64, tpu.core_type = #tpu.core_type<tc>, window_params = [{transform_indices = @transform_0, window_bounds = array<i64: 32, 1024>}, {transform_indices = @transform_1, window_bounds = array<i64: 1024, 128>}, {transform_indices = @transform_2, window_bounds = array<i64: 1024, 128>}, {transform_indices = @transform_3, window_bounds = array<i64: 1024>}]} {
    %get3A = arith.constant 0 : index
    %get3A_0 = arith.constant 0 : index
    %get3A_1 = vector.load %arg1[%get3A, %get3A_0] : memref<32x1024xf32, #tpu.memory_space<vmem>>, vector<32x1024xf32>
    %reduce_sum3A = arith.constant dense<0.000000e+00> : vector<1024xf32>
    %reduce_sum3A_2 = vector.multi_reduction <add>, %get3A_1, %reduce_sum3A [0] : vector<32x1024xf32> to vector<1024xf32>
    %add3A = arith.constant 1.000000e+00 : f32
    %add3A_3 = vector.broadcast %add3A : f32 to vector<1024xf32>
    %add3A_4 = arith.addf %reduce_sum3A_2, %add3A_3 : vector<1024xf32>
    %iota3A = tpu.iota {dimensions = array<i32: 1>} : vector<1x1024xi32>
    %iota3A_5 = vector.shape_cast %iota3A : vector<1x1024xi32> to vector<1024xi32>
    %mul3A = arith.constant 1024 : i32
    %mul3A_6 = arith.muli %arg0, %mul3A : i32
    %add3A_7 = vector.broadcast %mul3A_6 : i32 to vector<1024xi32>
    %add3A_8 = arith.addi %iota3A_5, %add3A_7 : vector<1024xi32>
    %lt3A = arith.constant 10000 : i32
    %lt3A_9 = vector.broadcast %lt3A : i32 to vector<1024xi32>
    %lt3A_10 = arith.cmpi slt, %add3A_8, %lt3A_9 : vector<1024xi32>
    %rsqrt3A = math.rsqrt %add3A_4 : vector<1024xf32>
    %jit3A = arith.constant 0.000000e+00 : f32
    %broadcast_in_dim3A = vector.broadcast %jit3A : f32 to vector<1024xf32>
    %select_n3A = arith.select %lt3A_10, %rsqrt3A, %broadcast_in_dim3A : vector<1024xi1>, vector<1024xf32>
    %swap3A = arith.constant 0 : index
    %swap3A_11 = vector.load %arg4[%swap3A] : memref<1024xf32, #tpu.memory_space<vmem>>, vector<1024xf32>
    tpu.vector_store %arg4[%swap3A], %select_n3A {strides = array<i32>} : memref<1024xf32, #tpu.memory_space<vmem>>, vector<1024xf32>,
    %get3A_12 = arith.constant 0 : index
    %get3A_13 = arith.constant 0 : index
    %get3A_14 = vector.load %arg2[%get3A_12, %get3A_13] : memref<1024x128xf32, #tpu.memory_space<vmem>>, vector<1024x128xf32>
    %broadcast_in_dim3A_15 = vector.shape_cast %select_n3A : vector<1024xf32> to vector<1024x1xf32>
    %mul3A_16 = vector.broadcast %broadcast_in_dim3A_15 : vector<1024x1xf32> to vector<1024x128xf32>
    %mul3A_17 = arith.mulf %get3A_14, %mul3A_16 : vector<1024x128xf32>
    %swap3A_18 = arith.constant 0 : index
    %swap3A_19 = arith.constant 0 : index
    %swap3A_20 = vector.load %arg3[%swap3A_18, %swap3A_19] : memref<1024x128xf32, #tpu.memory_space<vmem>>, vector<1024x128xf32>
    tpu.vector_store %arg3[%swap3A_18, %swap3A_19], %mul3A_17 {strides = array<i32>} : memref<1024x128xf32, #tpu.memory_space<vmem>>, vector<1024x128xf32>,
    return
  }
  func.func @transform_0(%arg0: i32) -> (i32, i32) {
    %c0_i32 = arith.constant 0 : i32
    %c0_i32_0 = arith.constant 0 : i32
    return %c0_i32, %arg0 : i32, i32
  }
  func.func @transform_1(%arg0: i32) -> (i32, i32) {
    %c0_i32 = arith.constant 0 : i32
    %c0_i32_0 = arith.constant 0 : i32
    return %arg0, %c0_i32 : i32, i32
  }
  func.func @transform_2(%arg0: i32) -> (i32, i32) {
    %c0_i32 = arith.constant 0 : i32
    %c0_i32_0 = arith.constant 0 : i32
    return %arg0, %c0_i32 : i32, i32
  }
  func.func @transform_3(%arg0: i32) -> i32 {
    %c0_i32 = arith.constant 0 : i32
    return %arg0 : i32
  }
}

module attributes {stable_mosaic.version = 14 : i64} {
  func.func @_pass2_body(%arg0: i32, %arg1: memref<1024x128xf32, #tpu.memory_space<vmem>>, %arg2: memref<1024x128xf32, #tpu.memory_space<vmem>>, %arg3: memref<1024x128xf32, #tpu.memory_space<vmem>>, %arg4: memref<1024xf32, #tpu.memory_space<vmem>>, %arg5: memref<128x256xf32, #tpu.memory_space<vmem>>, %arg6: memref<256xf32, #tpu.memory_space<vmem>>, %arg7: memref<256x128xf32, #tpu.memory_space<vmem>>, %arg8: memref<1024x128xf32, #tpu.memory_space<vmem>>) attributes {dimension_semantics = [#tpu.dimension_semantics<arbitrary>], iteration_bounds = array<i64: 10>, scalar_prefetch = 0 : i64, scratch_operands = 0 : i64, tpu.core_type = #tpu.core_type<tc>, window_params = [{transform_indices = @transform_0, window_bounds = array<i64: 1024, 128>}, {transform_indices = @transform_1, window_bounds = array<i64: 1024, 128>}, {transform_indices = @transform_2, window_bounds = array<i64: 1024, 128>}, {transform_indices = @transform_3, window_bounds = array<i64: 1024>}, {pipeline_mode = #tpu.pipeline_mode<synchronous>, transform_indices = @transform_4, window_bounds = array<i64: 128, 256>}, {pipeline_mode = #tpu.pipeline_mode<synchronous>, transform_indices = @transform_5, window_bounds = array<i64: 256>}, {pipeline_mode = #tpu.pipeline_mode<synchronous>, transform_indices = @transform_6, window_bounds = array<i64: 256, 128>}, {transform_indices = @transform_7, window_bounds = array<i64: 1024, 128>}]} {
    %get3A = arith.constant 0 : index
    %get3A_0 = vector.load %arg4[%get3A] : memref<1024xf32, #tpu.memory_space<vmem>>, vector<1024xf32>
    %get3A_1 = arith.constant 0 : index
    %get3A_2 = arith.constant 0 : index
    %get3A_3 = vector.load %arg1[%get3A_1, %get3A_2] : memref<1024x128xf32, #tpu.memory_space<vmem>>, vector<1024x128xf32>
    %get3A_4 = arith.constant 0 : index
    %get3A_5 = arith.constant 0 : index
    %get3A_6 = vector.load %arg2[%get3A_4, %get3A_5] : memref<1024x128xf32, #tpu.memory_space<vmem>>, vector<1024x128xf32>
    %add3A = arith.addf %get3A_3, %get3A_6 : vector<1024x128xf32>
    %get3A_7 = arith.constant 0 : index
    %get3A_8 = arith.constant 0 : index
    %get3A_9 = vector.load %arg3[%get3A_7, %get3A_8] : memref<1024x128xf32, #tpu.memory_space<vmem>>, vector<1024x128xf32>
    %add3A_10 = arith.addf %add3A, %get3A_9 : vector<1024x128xf32>
    %broadcast_in_dim3A = vector.shape_cast %get3A_0 : vector<1024xf32> to vector<1024x1xf32>
    %mul3A = vector.broadcast %broadcast_in_dim3A : vector<1024x1xf32> to vector<1024x128xf32>
    %mul3A_11 = arith.mulf %add3A_10, %mul3A : vector<1024x128xf32>
    %get3A_12 = arith.constant 0 : index
    %get3A_13 = arith.constant 0 : index
    %get3A_14 = vector.load %arg5[%get3A_12, %get3A_13] : memref<128x256xf32, #tpu.memory_space<vmem>>, vector<128x256xf32>
    %dot_general3A = arith.constant dense<0.000000e+00> : vector<1024x256xf32>
    %dot_general3A_15 = tpu.matmul %mul3A_11, %get3A_14, %dot_general3A {dimension_numbers = #tpu.dot_dimension_numbers<[1], [0], [0], [1], [0, 0, 1, 1], [], []>, transpose_lhs_hint = false} : vector<1024x128xf32>, vector<128x256xf32>, vector<1024x256xf32> -> vector<1024x256xf32>
    %get3A_16 = arith.constant 0 : index
    %get3A_17 = vector.load %arg6[%get3A_16] : memref<256xf32, #tpu.memory_space<vmem>>, vector<256xf32>
    %broadcast_in_dim3A_18 = vector.shape_cast %get3A_17 : vector<256xf32> to vector<1x256xf32>
    %add3A_19 = vector.broadcast %broadcast_in_dim3A_18 : vector<1x256xf32> to vector<1024x256xf32>
    %add3A_20 = arith.addf %dot_general3A_15, %add3A_19 : vector<1024x256xf32>
    %max3A = arith.constant 0.000000e+00 : f32
    %max3A_21 = vector.broadcast %max3A : f32 to vector<1024x256xf32>
    %max3A_22 = arith.maximumf %add3A_20, %max3A_21 : vector<1024x256xf32>
    %get3A_23 = arith.constant 0 : index
    %get3A_24 = arith.constant 0 : index
    %get3A_25 = vector.load %arg7[%get3A_23, %get3A_24] : memref<256x128xf32, #tpu.memory_space<vmem>>, vector<256x128xf32>
    %dot_general3A_26 = arith.constant dense<0.000000e+00> : vector<1024x128xf32>
    %dot_general3A_27 = tpu.matmul %max3A_22, %get3A_25, %dot_general3A_26 {dimension_numbers = #tpu.dot_dimension_numbers<[1], [0], [0], [1], [0, 0, 1, 1], [], []>, transpose_lhs_hint = false} : vector<1024x256xf32>, vector<256x128xf32>, vector<1024x128xf32> -> vector<1024x128xf32>
    %broadcast_in_dim3A_28 = vector.shape_cast %get3A_0 : vector<1024xf32> to vector<1024x1xf32>
    %mul3A_29 = vector.broadcast %broadcast_in_dim3A_28 : vector<1024x1xf32> to vector<1024x128xf32>
    %mul3A_30 = arith.mulf %dot_general3A_27, %mul3A_29 : vector<1024x128xf32>
    %swap3A = arith.constant 0 : index
    %swap3A_31 = arith.constant 0 : index
    %swap3A_32 = vector.load %arg8[%swap3A, %swap3A_31] : memref<1024x128xf32, #tpu.memory_space<vmem>>, vector<1024x128xf32>
    tpu.vector_store %arg8[%swap3A, %swap3A_31], %mul3A_30 {strides = array<i32>} : memref<1024x128xf32, #tpu.memory_space<vmem>>, vector<1024x128xf32>,
    return
  }
  func.func @transform_0(%arg0: i32) -> (i32, i32) {
    %c0_i32 = arith.constant 0 : i32
    %c0_i32_0 = arith.constant 0 : i32
    return %arg0, %c0_i32 : i32, i32
  }
  func.func @transform_1(%arg0: i32) -> (i32, i32) {
    %c0_i32 = arith.constant 0 : i32
    %c0_i32_0 = arith.constant 0 : i32
    return %arg0, %c0_i32 : i32, i32
  }
  func.func @transform_2(%arg0: i32) -> (i32, i32) {
    %c0_i32 = arith.constant 0 : i32
    %c0_i32_0 = arith.constant 0 : i32
    return %arg0, %c0_i32 : i32, i32
  }
  func.func @transform_3(%arg0: i32) -> i32 {
    %c0_i32 = arith.constant 0 : i32
    return %arg0 : i32
  }
  func.func @transform_4(%arg0: i32) -> (i32, i32) {
    %c0_i32 = arith.constant 0 : i32
    %c0_i32_0 = arith.constant 0 : i32
    %c0_i32_1 = arith.constant 0 : i32
    return %c0_i32, %c0_i32_0 : i32, i32
  }
  func.func @transform_5(%arg0: i32) -> i32 {
    %c0_i32 = arith.constant 0 : i32
    %c0_i32_0 = arith.constant 0 : i32
    return %c0_i32 : i32
  }
  func.func @transform_6(%arg0: i32) -> (i32, i32) {
    %c0_i32 = arith.constant 0 : i32
    %c0_i32_0 = arith.constant 0 : i32
    %c0_i32_1 = arith.constant 0 : i32
    return %c0_i32, %c0_i32_0 : i32, i32
  }
  func.func @transform_7(%arg0: i32) -> (i32, i32) {
    %c0_i32 = arith.constant 0 : i32
    %c0_i32_0 = arith.constant 0 : i32
    return %arg0, %c0_i32 : i32, i32
  }
}

module attributes {stable_mosaic.version = 14 : i64} {
  func.func @_pass3_body(%arg0: i32, %arg1: memref<1024x128xf32, #tpu.memory_space<vmem>>, %arg2: memref<1024x128xf32, #tpu.memory_space<vmem>>, %arg3: memref<1024x128xf32, #tpu.memory_space<vmem>>, %arg4: memref<1024xf32, #tpu.memory_space<vmem>>, %arg5: memref<128xf32, #tpu.memory_space<vmem>>, %arg6: memref<1024x128xf32, #tpu.memory_space<vmem>>) attributes {dimension_semantics = [#tpu.dimension_semantics<arbitrary>], iteration_bounds = array<i64: 10>, scalar_prefetch = 0 : i64, scratch_operands = 0 : i64, tpu.core_type = #tpu.core_type<tc>, window_params = [{transform_indices = @transform_0, window_bounds = array<i64: 1024, 128>}, {transform_indices = @transform_1, window_bounds = array<i64: 1024, 128>}, {transform_indices = @transform_2, window_bounds = array<i64: 1024, 128>}, {transform_indices = @transform_3, window_bounds = array<i64: 1024>}, {pipeline_mode = #tpu.pipeline_mode<synchronous>, transform_indices = @transform_4, window_bounds = array<i64: 128>}, {transform_indices = @transform_5, window_bounds = array<i64: 1024, 128>}]} {
    %get3A = arith.constant 0 : index
    %get3A_0 = vector.load %arg4[%get3A] : memref<1024xf32, #tpu.memory_space<vmem>>, vector<1024xf32>
    %get3A_1 = arith.constant 0 : index
    %get3A_2 = arith.constant 0 : index
    %get3A_3 = vector.load %arg1[%get3A_1, %get3A_2] : memref<1024x128xf32, #tpu.memory_space<vmem>>, vector<1024x128xf32>
    %get3A_4 = arith.constant 0 : index
    %get3A_5 = arith.constant 0 : index
    %get3A_6 = vector.load %arg2[%get3A_4, %get3A_5] : memref<1024x128xf32, #tpu.memory_space<vmem>>, vector<1024x128xf32>
    %add3A = arith.addf %get3A_3, %get3A_6 : vector<1024x128xf32>
    %get3A_7 = arith.constant 0 : index
    %get3A_8 = arith.constant 0 : index
    %get3A_9 = vector.load %arg3[%get3A_7, %get3A_8] : memref<1024x128xf32, #tpu.memory_space<vmem>>, vector<1024x128xf32>
    %add3A_10 = arith.addf %add3A, %get3A_9 : vector<1024x128xf32>
    %broadcast_in_dim3A = vector.shape_cast %get3A_0 : vector<1024xf32> to vector<1024x1xf32>
    %mul3A = vector.broadcast %broadcast_in_dim3A : vector<1024x1xf32> to vector<1024x128xf32>
    %mul3A_11 = arith.mulf %add3A_10, %mul3A : vector<1024x128xf32>
    %get3A_12 = arith.constant 0 : index
    %get3A_13 = vector.load %arg5[%get3A_12] : memref<128xf32, #tpu.memory_space<vmem>>, vector<128xf32>
    %broadcast_in_dim3A_14 = vector.shape_cast %get3A_13 : vector<128xf32> to vector<1x128xf32>
    %add3A_15 = vector.broadcast %broadcast_in_dim3A_14 : vector<1x128xf32> to vector<1024x128xf32>
    %add3A_16 = arith.addf %mul3A_11, %add3A_15 : vector<1024x128xf32>
    %max3A = arith.constant 0.000000e+00 : f32
    %max3A_17 = vector.broadcast %max3A : f32 to vector<1024x128xf32>
    %max3A_18 = arith.maximumf %add3A_16, %max3A_17 : vector<1024x128xf32>
    %swap3A = arith.constant 0 : index
    %swap3A_19 = arith.constant 0 : index
    %swap3A_20 = vector.load %arg6[%swap3A, %swap3A_19] : memref<1024x128xf32, #tpu.memory_space<vmem>>, vector<1024x128xf32>
    tpu.vector_store %arg6[%swap3A, %swap3A_19], %max3A_18 {strides = array<i32>} : memref<1024x128xf32, #tpu.memory_space<vmem>>, vector<1024x128xf32>,
    return
  }
  func.func @transform_0(%arg0: i32) -> (i32, i32) {
    %c0_i32 = arith.constant 0 : i32
    %c0_i32_0 = arith.constant 0 : i32
    return %arg0, %c0_i32 : i32, i32
  }
  func.func @transform_1(%arg0: i32) -> (i32, i32) {
    %c0_i32 = arith.constant 0 : i32
    %c0_i32_0 = arith.constant 0 : i32
    return %arg0, %c0_i32 : i32, i32
  }
  func.func @transform_2(%arg0: i32) -> (i32, i32) {
    %c0_i32 = arith.constant 0 : i32
    %c0_i32_0 = arith.constant 0 : i32
    return %arg0, %c0_i32 : i32, i32
  }
  func.func @transform_3(%arg0: i32) -> i32 {
    %c0_i32 = arith.constant 0 : i32
    return %arg0 : i32
  }
  func.func @transform_4(%arg0: i32) -> i32 {
    %c0_i32 = arith.constant 0 : i32
    %c0_i32_0 = arith.constant 0 : i32
    return %c0_i32 : i32
  }
  func.func @transform_5(%arg0: i32) -> (i32, i32) {
    %c0_i32 = arith.constant 0 : i32
    %c0_i32_0 = arith.constant 0 : i32
    return %arg0, %c0_i32 : i32, i32
  }
}

</mosaic_0001>

<sc_bundles>
// kernel: _run.11.cloned.1.call-start
scs
__scs_entry_jumppad:
0x0: {  	(pc) =	sbr.rel $0x88, $3  }
0x1: {  	(tag) =	ssettag $0x0;
	lr =	simm.s32 $0x1  }
0x2: {  	[smem:$0x3F9B] =	sst lr;
	_ =	strace $0xD0000000  }
0x3: {  	_ = 	snop  }
0x4: {  	_ = 	snop  }
0x5: {  	_ = 	snop  }
0x6: {  	_ = 	snop  }
0x7: {  	_ = 	snop  }
__scs_overlays_trampoline_lowered:
0x8: {  	[smem:$0x3FAA] =	sst s0  }
0x9: {  	[smem:$0x3FAB] =	sst s1  }
0xa: {  	[smem:$0x3FAC] =	sst s2  }
0xb: {  	[smem:$0x3FAD] =	sst s3  }
0xc: {  	[smem:$0x3FAE] =	sst s4  }
0xd: {  	[smem:$0x3FAF] =	sst s5  }
0xe: {  	[smem:$0x3FB0] =	sst s6  }
0xf: {  	[smem:$0x3FB1] =	sst s7  }
0x10: {  	[smem:$0x3FB2] =	sst s8  }
0x11: {  	[smem:$0x3FB3] =	sst s9;
	s0 =	simm.s32 @!p0 $0x0  }
0x12: {  	s1 =	sld [smem:$0x3F99];
	s0 =	simm.s32 @p0 $0x1  }
0x13: {  	[smem:$0x3FB4] =	sst s0;
	s0 =	simm.s32 @!p1 $0x0  }
0x14: {  	s2 =	sld [smem:$0x3F98];
	s0 =	simm.s32 @p1 $0x1  }
0x15: {  	[smem:$0x3FB5] =	sst s0;
	s0 =	simm.s32 @!p2 $0x0  }
0x16: {  	s3 =	sld [smem:$0x3FDB];
	s0 =	simm.s32 @p2 $0x1  }
0x17: {  	s4 =	simm.s32 $0x1BF5;
	[smem:$0x3FB7] =	sst s0  }
0x18: {  	s0 =	sld [smem:$0x3F9A];
	_ =	swait.ge [sflag:s4], $0x0  }
0x19: {  	s7 =	sld [smem:$0x3F9B]  }
0x1a: {  	s8 =	sadd.s32 $0xFFFFE003, lr  }
0x1b: {  	s9 =	sadd.s32 $0xFFFFFEF7, lr;
	s5 =	simm.s32 $0xFFFFFFFF;
	p2 =	slt.u32 s8, $0xFFFFF086  }
0x1c: {  	p1 =	slt.u32 s9, $0xF7A;
	s5 =	simm.s32 @!p2 $0x0  }
0x1d: {  	s5 =	simm.s32 @p1 $0x1;
	p0 =	seq.s32 s7, s2  }
0x1e: {  	s7 =	smul.u32 @!p0 $0xF7A, s2;
	p2 =	seq.s32 @!p0 s5, $0x0  }
0x1f: {  	s9 =	smul.u32 $0xF7A, s1;
	s8 =	simm.s32 @!p0 $0x1BF5;
	p2 =	por !p2, p0  }
0x20: {  	[sflag:s8] =	ssyncset.s32 @!p0 $0xFFFFF086;
	s6 =	sadd.s32 @!p0 s3, s7;
	s7 =	simm.s32 @!p0 $0x108  }
0x21: {  	s3 =	sadd.s32 s3, s9;
	s6 =	sadd.s32 @!p0 $0x88, s6;
	s7 =	simm.s32 @p2 $0x1082  }
0x22: {  	[simem:s7], [sflag:s8] =	dma.local @!p0 [hbm:s6], $0xF7A  }
0x23: {  	s9 =	sor.u32 $0xD0000000, s2;
	s6 =	simm.s32 $0x108;
	_ =	swait.ge @!p0 [sflag:s8], $0x0  }
0x24: {  	s3 =	sadd.s32 $0x88, s3;
	s6 =	simm.s32 @!p1 $0x1082;
	[sflag:s4] =	ssyncset.s32 $0xFFFFF086  }
0x25: {  	[simem:s6], [sflag:s4] =	dma.local [hbm:s3], $0xF7A  }
0x26: {  	[smem:$0x3F9B] =	sst s1;
	(tag) =	ssettag s2;
	_ =	strace s9  }
0x27: {  	s1 =	sld [smem:$0x3FAB]  }
0x28: {  	s2 =	sld [smem:$0x3FAC]  }
0x29: {  	s4 =	sld [smem:$0x3FAE]  }
0x2a: {  	p0 =	seq.s32 s5, $0x0;
	s5 =	sld [smem:$0x3FAF]  }
0x2b: {  	s6 =	sld [smem:$0x3FB0]  }
0x2c: {  	s7 =	sld [smem:$0x3FB1]  }
0x2d: {  	s3 =	simm.s32 $0x108;
	s8 =	sld [smem:$0x3FB2]  }
0x2e: {  	s3 =	simm.s32 @!p0 $0x1082;
	s9 =	sld [smem:$0x3FB3]  }
0x2f: {  	lr =	sadd.s32 s0, s3;
	s0 =	sld [smem:$0x3FAA]  }
0x30: {  	s3 =	sld [smem:$0x3FAD]  }
0x31: {  	[smem:$0x3FB6] =	sst s10  }
0x32: {  	s10 =	sld [smem:$0x3FB4];
	_ =	sdelay $0x3  }
0x33: {  	p0 =	seq.s32 s10, $0x1;
	s10 =	sld [smem:$0x3FB6];
	_ =	sdelay $0x3  }
0x34: {  	[smem:$0x3FB6] =	sst s10  }
0x35: {  	s10 =	sld [smem:$0x3FB5];
	_ =	sdelay $0x3  }
0x36: {  	p1 =	seq.s32 s10, $0x1;
	s10 =	sld [smem:$0x3FB6];
	_ =	sdelay $0x3  }
0x37: {  	[smem:$0x3FB6] =	sst s10  }
0x38: {  	s10 =	sld [smem:$0x3FB7]  }
0x39: {  	_ = 	snop;
	(pc) =	sbr.ind lr, $3  }
0x3a: {  	_ = 	snop  }
0x3b: {  	_ = 	snop  }
0x3c: {  	p2 =	seq.s32 s10, $0x1;
	s10 =	sld [smem:$0x3FB6]  }
0x3d: {  	_ =	shalt  }
0x3e: {  	_ =	shalt  }
0x3f: {  	_ =	shalt  }
0x40: {  	_ =	shalt  }
0x41: {  	_ =	shalt  }
0x42: {  	_ =	shalt  }
0x43: {  	_ =	shalt  }
0x44: {  	_ =	shalt  }
0x45: {  	_ =	shalt  }
0x46: {  	_ =	shalt  }
0x47: {  	_ =	shalt  }
0x48: {  	_ =	shalt  }
0x49: {  	_ =	shalt  }
0x4a: {  	_ =	shalt  }
0x4b: {  	_ =	shalt  }
0x4c: {  	_ =	shalt  }
0x4d: {  	_ =	shalt  }
0x4e: {  	_ =	shalt  }
0x4f: {  	_ =	shalt  }
0x50: {  	_ =	shalt  }
0x51: {  	_ =	shalt  }
0x52: {  	_ =	shalt  }
0x53: {  	_ =	shalt  }
0x54: {  	_ =	shalt  }
0x55: {  	_ =	shalt  }
0x56: {  	_ =	shalt  }
0x57: {  	_ =	shalt  }
0x58: {  	_ =	shalt  }
0x59: {  	_ =	shalt  }
0x5a: {  	_ =	shalt  }
0x5b: {  	_ =	shalt  }
0x5c: {  	_ =	shalt  }
0x5d: {  	_ =	shalt  }
0x5e: {  	_ =	shalt  }
0x5f: {  	_ =	shalt  }
0x60: {  	_ =	shalt  }
0x61: {  	_ =	shalt  }
0x62: {  	_ =	shalt  }
0x63: {  	_ =	shalt  }
0x64: {  	_ =	shalt  }
0x65: {  	_ =	shalt  }
0x66: {  	_ =	shalt  }
0x67: {  	_ =	shalt  }
0x68: {  	_ =	shalt  }
0x69: {  	_ =	shalt  }
0x6a: {  	_ =	shalt  }
0x6b: {  	_ =	shalt  }
0x6c: {  	_ =	shalt  }
0x6d: {  	_ =	shalt  }
0x6e: {  	_ =	shalt  }
0x6f: {  	_ =	shalt  }
0x70: {  	_ =	shalt  }
0x71: {  	_ =	shalt  }
0x72: {  	_ =	shalt  }
0x73: {  	_ =	shalt  }
0x74: {  	_ =	shalt  }
0x75: {  	_ =	shalt  }
0x76: {  	_ =	shalt  }
0x77: {  	_ =	shalt  }
0x78: {  	_ =	shalt  }
0x79: {  	_ =	shalt  }
0x7a: {  	_ =	shalt  }
0x7b: {  	_ =	shalt  }
0x7c: {  	_ =	shalt  }
0x7d: {  	_ =	shalt  }
0x7e: {  	_ =	shalt  }
0x7f: {  	_ =	shalt  }
0x80: {  	_ =	shalt  }
0x81: {  	_ =	shalt  }
0x82: {  	_ =	shalt  }
0x83: {  	_ =	shalt  }
0x84: {  	_ =	shalt  }
0x85: {  	_ =	shalt  }
0x86: {  	_ =	shalt  }
0x87: {  	_ =	shalt  }
.Lfunc_end0:
.L_simem_size_0:
called_computation.1_lowered:
.L_overlay_start_0:
0x88: {  	s2 =	sld [smem:$0x3FD9]  }
0x89: {  	s3 =	sld [smem:$0x3FFE];
	_ =	sdelay $0x1  }
0x8a: {  	s1 =	srdreg.scid  }
0x8b: {  	s0 =	sand.u32 $0x1, s1  }
0x8c: {  	s17 =	sshll.u32 s0, $0xA;
	s2 =	sadd.s32 s3, s2  }
0x8d: {  	s2 =	sadd.s32 s2, s17  }
0x8e: {  	[smem:$0x3FC2] =	sst s2  }
0x8f: {  	_ = 	snop  }
0x90: {  	s2 =	sld [smem:$0x3FD0];
	(tm) =	ssettm $0x1  }
0x91: {  	s18 =	sld [smem:$0x3FFB];
	_ =	sdelay $0x3  }
0x92: {  	_ =	strace s18  }
0x93: {  	s3 =	sld [smem:$0x3FFC];
	_ =	sdelay $0x3  }
0x94: {  	_ =	strace s3  }
0x95: {  	s3 =	sld [smem:$0x3FFD];
	_ =	sdelay $0x3  }
0x96: {  	_ =	strace s3  }
0x97: {  	_ =	strace $0x8FFFFFFF  }
0x98: {  	s19 =	sld [smem:$0x3FDB];
	_ =	sdelay $0x1  }
0x99: {  	s4 =	simm.s32 $_scs_section_size  }
0x9a: {  	s5 =	simm.s32 $_size__tile_overlayer_lowered;
	s6 =	simm.s32 $_tile_overlayer_lowered  }
0x9b: {  	s22 =	simm.s32 $0x1BFF;
	s21 =	sshll.u32 s6, $0x1;
	s3 =	sadd.s32 s4, s19  }
0x9c: {  	s7 =	simm.s32 $0x0;
	s20 =	sshll.u32 s5, $0x1;
	s5 =	sadd.s32 s21, s3  }
0x9d: {  	[timem:s7], [sflag:s22] =	dma.local [hbm:s5], s20  }
0x9e: {  	_ =	swait.ge [sflag:s22], s20  }
0x9f: {  	s4 =	ssub.s32 $0x0, s20;
	[sflag:s22] =	ssyncset.done $0x0  }
0xa0: {  	[sflag:s22] =	ssyncadd.s32 s4;
	_ =	sdelay $0x1  }
0xa1: {  	s23 =	simm.s32 $0x1B8B  }
0xa2: {  	_ =	swait.ge [sflag:s23], $0x1  }
0xa3: {  	[sflag:s23] =	ssyncset.done $0x0  }
0xa4: {  	s25 =	simm.s32 $0x1B8E;
	s24 =	sld [smem:$0x3FFE];
	[sflag:s23] =	ssyncadd.s32 $0xFFFFFFFF  }
0xa5: {  	s26 =	simm.s32 $execute0_lowered;
	[smem:$0x3FD2] =	sst s25  }
0xa6: {  	s5 =	sshll.u32 s26, $0x1;
	_ =	strace $0x80000049;
	[dreg:$0x1] =	wrdreg $0xFFFFFFFF  }
0xa7: {  	s28 =	simm.s32 $_size_execute0_lowered;
	s3 =	sadd.s32 s3, s5;
	[dreg:$0x0] =	wrdreg $0x0  }
0xa8: {  	s5 =	sshll.u32 s28, $0x1;
	[dreg:$0x2] =	wrdreg s3  }
0xa9: {  	[dreg:$0x3] =	wrdreg s5  }
0xaa: {  	[dreg:$0x4] =	wrdreg $0xC0  }
0xab: {  	_ =	task [dreg:s7], $0x5FFFF  }
0xac: {  	[dreg:$0x1] =	wrdreg $0xFFFFFFFF  }
0xad: {  	[dreg:$0x0] =	wrdreg $0x60  }
0xae: {  	[dreg:$0x2] =	wrdreg s24  }
0xaf: {  	[dreg:$0x3] =	wrdreg s2  }
0xb0: {  	[dreg:$0x4] =	wrdreg $0x90000  }
0xb1: {  	[dreg:$0x5] =	wrdreg $0x9  }
0xb2: {  	_ =	task.clear_ibuf [dreg:s7], $0x6FFFF;
	_ =	strace $0x90000049  }
0xb3: {  	s29 =	simm.s32 $0x9;
	_ =	strace $0x8000004B  }
0xb4: {  	_ =	swait.ge [sflag:s29], $0x1  }
0xb5: {  	[sflag:s29] =	ssyncadd.s32 $0xFFFFFFFF  }
0xb6: {  	_ =	strace $0x9000004B  }
0xb7: {  	_ =	sfence  }
0xb8: {  	s30 =	sld [smem:$0x0];
	_ =	sdelay $0x2  }
0xb9: {  	s31 =	sshll.u32 s1, $0xD;
	s1 =	sshrl.u32 s1, $0x2  }
0xba: {  	s3 =	sand.u32 $0x4000, s31;
	s1 =	sadd.s32 s1, s30  }
0xbb: {  	s0 =	sor.u32 s3, s0;
	s1 =	sshll.u32 s1, $0x11  }
0xbc: {  	s0 =	sor.u32 s1, s0  }
0xbd: {  	s0 =	sadd.s32 $0x8F2B, s0  }
0xbe: {  	[sflag:s0] =	ssyncadd.remote.s32 $0x1  }
0xbf: {  	_ =	sfence.sel $0xFFFF  }
0xc0: {  	[dreg:$0x0] =	wrdreg $0xFFFFFFFF;
	(pc) =	sbr.abs _section_cstart, $3  }
0xc1: {  	[dreg:$0x1] =	wrdreg $0xFFFFFFFF  }
0xc2: {  	_ =	task.clear_ibuf [dreg:s7], $0x2FFFF;
	_ =	strace $0x9FFFFFFF  }
0xc3: {  	(tm) =	ssettm $0x7FFFFFFF  }
tec
execute0_lowered:
.L_overlay_start_1:
0x0: {  	(tag) =	ssettag $0x1  }
0x1: {  	s7 =	rddreg [dreg:$0x0]  }
0x2: {  	s8 =	rddreg [dreg:$0x1]  }
0x3: {  	s0 =	srdreg.scid;
	s2 =	rddreg [dreg:$0x2]  }
0x4: {  	s3 =	simm.s32 $0x0;
	s14 =	simm.s32 $0x80;
	s15 =	simm.s32 $0x5000  }
0x5: {  	s16 =	simm.s32 $0x1;
	s6 =	sand.u32 $0x1, s0;
	s0 =	stileid.u32  }
0x6: {  	s17 =	simm.s32 $0x0;
	[smem:$0x7FF] =	sst s3;
	s5 =	smul.u32 $0x140000, s6  }
0x7: {  	s4 =	sadd.s32 $0x20800, s7;
	s1 =	sshll.u32 s6, $0x4;
	s10 =	smul.u32 $0x14000, s0  }
0x8: {  	s12 =	smul.u32 $0x50000, s0;
	s6 =	ssub.s32 $0x2, s6;
	s1 =	sor.u32 s0, s1  }
0x9: {  	s31 =	sshll.u32 s0, $0x6;
	s30 =	sshrl.u32 s6, $0x1;
	s9 =	smul.u32 $0x500, s1  }
0xa: {  	s1 =	rddreg [dreg:$0x3];
	_ =	strace $0x8000004A;
	s10 =	sadd.s32 s10, s5  }
0xb: {  	s5 =	sadd.s32 $0x2A00, s7;
	s12 =	sshrl.u32 s12, $0x2;
	s13 =	ssub.s32 s6, s30  }
0xc: {  	s6 =	sor.u32 $0x1C02, s31;
	s10 =	sshrl.u32 s10, $0x3;
	s12 =	sadd.s32 s12, s2  }
0xd: {  	s11 =	sadd.s32 s9, s7;
	s10 =	sadd.s32 s10, s7;
	s7 =	sadd.s32 s8, s9  }
0xe: {  	s8 =	sadd.s32 $0x16800, s11;
	s9 =	sadd.s32 $0x48800, s10;
	s10 =	smax.u32 s13, $0x1  }
0xf: {  	s11 =	sshrl.u32 s12, $0x3;
	s12 =	simm.s32 $0x2;
	s13 =	simm.s32 $0x2800  }
.LBB2_1:
0x10: {  	[spmem:s11], [sflag:s6] =	dma.local [hbm:s5], $0x2800  }
0x11: {  	_ =	swait.ge [sflag:s12], $0x2800  }
0x12: {  	[sflag:s12] =	ssyncset.done $0x0  }
0x13: {  	[sflag:s12] =	ssyncadd.s32 $0xFFFFD800  }
0x14: {  	[tilespmem:s3], [sflag:$0x2] =	stream.linear.gather [hbm4b:s7+s3], $0x2780, $0x38;
	[tilespmem:$0x1D000] =	vst v63  }
0x15: {  	_ =	swait.ge [sflag:s12], $0x2780  }
0x16: {  	[sflag:s12] =	ssyncset.done $0x0  }
0x17: {  	[sflag:s12] =	ssyncadd.s32 $0xFFFFD880  }
0x18: {  	[tilespmem:s13], [sflag:$0x2] =	stream.linear.gather [hbm4b:s8+s3], $0x2780, $0x38;
	[tilespmem:$0x1D000] =	vst v63  }
0x19: {  	_ =	swait.ge [sflag:s12], $0x2780  }
0x1a: {  	[sflag:s12] =	ssyncset.done $0x0  }
0x1b: {  	[sflag:s12] =	ssyncadd.s32 $0xFFFFD880  }
0x1c: {  	s18 =	simm.s32 $0x0;
	[bflag:$0x0] =	sbarrier.arrive $0xFFFF  }
0x1d: {  	[tilespmem:s15], [sflag:$0x1] =	stream.indirect.gather [hbm4b:s4+s14], $0x80, s18, s14, $0xb8;
	[tilespmem:$0x1D000] =	vst v63  }
0x1e: {  	_ =	swait.ge [sflag:s16], $0x4000  }
0x1f: {  	[sflag:s16] =	ssyncset.done $0x0  }
0x20: {  	s31 =	simm.s32 $0x2800;
	[sflag:s16] =	ssyncadd.s32 $0xFFFFC000  }
0x21: {  	[spmem:s2] =	stream.indirect.scatter.add.f32 [tilespmem:s15], [sflag:$0x2], $0x80, s31, s14, $0xb8;
	[tilespmem:$0x1D000] =	vst v63  }
0x22: {  	_ =	swait.ge [sflag:s12], $0x4000  }
0x23: {  	s19 =	simm.s32 $0x400;
	s18 =	simm.s32 $0x200;
	[sflag:s12] =	ssyncset.done $0x0  }
.LBB2_2:
0x24: {  	s20 =	sshra.s32 s18, $0x2  }
0x25: {  	[sflag:s12] =	ssyncadd.s32 $0xFFFFC000;
	s18 =	smov.u32 s19;
	s21 =	sadd.s32 $0x200, s19  }
0x26: {  	[tilespmem:s15], [sflag:$0x1] =	stream.indirect.gather [hbm4b:s4+s14], $0x80, s20, s14, $0xb8;
	[tilespmem:$0x1D000] =	vst v63  }
0x27: {  	p0 =	sne.s32 s19, $0x9C00;
	_ =	swait.ge [sflag:s16], $0x4000  }
.Ltmp0:
0x28: {  	[sflag:s16] =	ssyncset.done $0x0;
	(pc) =	sbr.rel @p0 .LBB2_2-.Ltmp0, $4  }
0x29: {  	s19 =	sadd.s32 $0x2800, s20;
	[sflag:s16] =	ssyncadd.s32 $0xFFFFC000  }
0x2a: {  	[spmem:s2] =	stream.indirect.scatter.add.f32 [tilespmem:s15], [sflag:$0x2], $0x80, s19, s14, $0xb8;
	[tilespmem:$0x1D000] =	vst v63  }
0x2b: {  	_ =	swait.ge [sflag:s12], $0x4000  }
0x2c: {  	s19 =	smov.u32 s21;
	[sflag:s12] =	ssyncset.done $0x0  }
0x2d: {  	s18 =	sshra.s32 s18, $0x2;
	[sflag:s12] =	ssyncadd.s32 $0xFFFFC000  }
0x2e: {  	[tilespmem:s15], [sflag:$0x1] =	stream.indirect.gather [hbm4b:s4+s14], $0x80, s18, s14, $0xb8;
	[tilespmem:$0x1D000] =	vst v63  }
0x2f: {  	_ =	swait.ge [sflag:s16], $0x4000  }
0x30: {  	[sflag:s16] =	ssyncset.done $0x0  }
0x31: {  	s18 =	sadd.s32 $0x2800, s18;
	[sflag:s16] =	ssyncadd.s32 $0xFFFFC000  }
0x32: {  	[spmem:s2] =	stream.indirect.scatter.add.f32 [tilespmem:s15], [sflag:$0x2], $0x80, s18, s14, $0xb8;
	[tilespmem:$0x1D000] =	vst v63  }
0x33: {  	_ =	swait.ge [sflag:s12], $0x4000  }
0x34: {  	s17 =	sadd.s32 $0x1, s17;
	[sflag:s12] =	ssyncset.done $0x0  }
0x35: {  	p0 =	sne.s32 s17, s10;
	[sflag:s12] =	ssyncadd.s32 $0xFFFFC000  }
.Ltmp1:
0x36: {  	[bflag:$0x0] =	sbarrier.arrive $0xFFFF;
	(pc) =	sbr.rel @p0 .LBB2_1-.Ltmp1, $4  }
0x37: {  	[hbm:s9], [sflag:s6] =	dma.local [spmem:s11], $0x2800  }
0x38: {  	_ =	swait.ge [sflag:s12], $0x2800  }
0x39: {  	[sflag:s12] =	ssyncset.done $0x0  }
0x3a: {  	[sflag:s12] =	ssyncadd.s32 $0xFFFFD800  }
0x3b: {  	_ =	sfence.sel $0x180000  }
0x3c: {  	[bflag:$0x0] =	sbarrier.arrive $0xFFFF  }
0x3d: {  	p0 =	sne.s32 s0, $0x0;
	_ =	strace $0x9000004A  }
0x3e: {  	s0 =	sadd.s32 @!p0 $0x100000, s1;
	[bflag:$0x2] =	sbarrier.arrive $0xFFFF  }
0x3f: {  	[sflag:s0] =	ssyncadd.tile.s32 @!p0 $0x1;
	_ =	shalt  }
.Lfunc_end2:
_tile_overlayer_lowered:
.L_overlay_start_2:
0x40: {  	(tag) =	ssettag $0x2  }
0x41: {  	s0 =	rddreg [dreg:$0x0];
	s2 =	stileid.u32  }
0x42: {  	s1 =	rddreg [dreg:$0x1];
	p0 =	sne.s32 s2, $0x0  }
0x43: {  	s3 =	rddreg [dreg:$0x2];
	[bflag:$0x3] =	sbarrier.arrive $0xFFFF;
	s2 =	simm.s32 @!p0 $0x1C02  }
0x44: {  	[timem:s3], [sflag:s2] =	dma.local @!p0 [hbm:s0], s1  }
0x45: {  	s0 =	simm.s32 @!p0 $0x2  }
0x46: {  	_ =	swait.ge @!p0 [sflag:s0], s1  }
0x47: {  	s1 =	ssub.s32 @!p0 $0x0, s1;
	[sflag:s0] =	ssyncset.done @!p0 $0x0  }
0x48: {  	[sflag:s0] =	ssyncadd.s32 @!p0 s1  }
0x49: {  	[bflag:$0x3] =	sbarrier.arrive $0xFFFF  }
0x4a: {  	_ =	shalt  }

// kernel: _run.14.cloned.1.call-start
scs
__scs_entry_jumppad:
0x0: {  	(pc) =	sbr.rel $0x88, $3  }
0x1: {  	(tag) =	ssettag $0x0;
	lr =	simm.s32 $0x1  }
0x2: {  	[smem:$0x3F9B] =	sst lr;
	_ =	strace $0xD0000000  }
0x3: {  	_ = 	snop  }
0x4: {  	_ = 	snop  }
0x5: {  	_ = 	snop  }
0x6: {  	_ = 	snop  }
0x7: {  	_ = 	snop  }
__scs_overlays_trampoline_lowered:
0x8: {  	[smem:$0x3FAA] =	sst s0  }
0x9: {  	[smem:$0x3FAB] =	sst s1  }
0xa: {  	[smem:$0x3FAC] =	sst s2  }
0xb: {  	[smem:$0x3FAD] =	sst s3  }
0xc: {  	[smem:$0x3FAE] =	sst s4  }
0xd: {  	[smem:$0x3FAF] =	sst s5  }
0xe: {  	[smem:$0x3FB0] =	sst s6  }
0xf: {  	[smem:$0x3FB1] =	sst s7  }
0x10: {  	[smem:$0x3FB2] =	sst s8  }
0x11: {  	[smem:$0x3FB3] =	sst s9;
	s0 =	simm.s32 @!p0 $0x0  }
0x12: {  	s1 =	sld [smem:$0x3F99];
	s0 =	simm.s32 @p0 $0x1  }
0x13: {  	[smem:$0x3FB4] =	sst s0;
	s0 =	simm.s32 @!p1 $0x0  }
0x14: {  	s2 =	sld [smem:$0x3F98];
	s0 =	simm.s32 @p1 $0x1  }
0x15: {  	[smem:$0x3FB5] =	sst s0;
	s0 =	simm.s32 @!p2 $0x0  }
0x16: {  	s3 =	sld [smem:$0x3FDB];
	s0 =	simm.s32 @p2 $0x1  }
0x17: {  	s4 =	simm.s32 $0x1BF5;
	[smem:$0x3FB7] =	sst s0  }
0x18: {  	s0 =	sld [smem:$0x3F9A];
	_ =	swait.ge [sflag:s4], $0x0  }
0x19: {  	s7 =	sld [smem:$0x3F9B]  }
0x1a: {  	s8 =	sadd.s32 $0xFFFFE003, lr  }
0x1b: {  	s9 =	sadd.s32 $0xFFFFFEF7, lr;
	s5 =	simm.s32 $0xFFFFFFFF;
	p2 =	slt.u32 s8, $0xFFFFF086  }
0x1c: {  	p1 =	slt.u32 s9, $0xF7A;
	s5 =	simm.s32 @!p2 $0x0  }
0x1d: {  	s5 =	simm.s32 @p1 $0x1;
	p0 =	seq.s32 s7, s2  }
0x1e: {  	s7 =	smul.u32 @!p0 $0xF7A, s2;
	p2 =	seq.s32 @!p0 s5, $0x0  }
0x1f: {  	s9 =	smul.u32 $0xF7A, s1;
	s8 =	simm.s32 @!p0 $0x1BF5;
	p2 =	por !p2, p0  }
0x20: {  	[sflag:s8] =	ssyncset.s32 @!p0 $0xFFFFF086;
	s6 =	sadd.s32 @!p0 s3, s7;
	s7 =	simm.s32 @!p0 $0x108  }
0x21: {  	s3 =	sadd.s32 s3, s9;
	s6 =	sadd.s32 @!p0 $0x88, s6;
	s7 =	simm.s32 @p2 $0x1082  }
0x22: {  	[simem:s7], [sflag:s8] =	dma.local @!p0 [hbm:s6], $0xF7A  }
0x23: {  	s9 =	sor.u32 $0xD0000000, s2;
	s6 =	simm.s32 $0x108;
	_ =	swait.ge @!p0 [sflag:s8], $0x0  }
0x24: {  	s3 =	sadd.s32 $0x88, s3;
	s6 =	simm.s32 @!p1 $0x1082;
	[sflag:s4] =	ssyncset.s32 $0xFFFFF086  }
0x25: {  	[simem:s6], [sflag:s4] =	dma.local [hbm:s3], $0xF7A  }
0x26: {  	[smem:$0x3F9B] =	sst s1;
	(tag) =	ssettag s2;
	_ =	strace s9  }
0x27: {  	s1 =	sld [smem:$0x3FAB]  }
0x28: {  	s2 =	sld [smem:$0x3FAC]  }
0x29: {  	s4 =	sld [smem:$0x3FAE]  }
0x2a: {  	p0 =	seq.s32 s5, $0x0;
	s5 =	sld [smem:$0x3FAF]  }
0x2b: {  	s6 =	sld [smem:$0x3FB0]  }
0x2c: {  	s7 =	sld [smem:$0x3FB1]  }
0x2d: {  	s3 =	simm.s32 $0x108;
	s8 =	sld [smem:$0x3FB2]  }
0x2e: {  	s3 =	simm.s32 @!p0 $0x1082;
	s9 =	sld [smem:$0x3FB3]  }
0x2f: {  	lr =	sadd.s32 s0, s3;
	s0 =	sld [smem:$0x3FAA]  }
0x30: {  	s3 =	sld [smem:$0x3FAD]  }
0x31: {  	[smem:$0x3FB6] =	sst s10  }
0x32: {  	s10 =	sld [smem:$0x3FB4];
	_ =	sdelay $0x3  }
0x33: {  	p0 =	seq.s32 s10, $0x1;
	s10 =	sld [smem:$0x3FB6];
	_ =	sdelay $0x3  }
0x34: {  	[smem:$0x3FB6] =	sst s10  }
0x35: {  	s10 =	sld [smem:$0x3FB5];
	_ =	sdelay $0x3  }
0x36: {  	p1 =	seq.s32 s10, $0x1;
	s10 =	sld [smem:$0x3FB6];
	_ =	sdelay $0x3  }
0x37: {  	[smem:$0x3FB6] =	sst s10  }
0x38: {  	s10 =	sld [smem:$0x3FB7]  }
0x39: {  	_ = 	snop;
	(pc) =	sbr.ind lr, $3  }
0x3a: {  	_ = 	snop  }
0x3b: {  	_ = 	snop  }
0x3c: {  	p2 =	seq.s32 s10, $0x1;
	s10 =	sld [smem:$0x3FB6]  }
0x3d: {  	_ =	shalt  }
0x3e: {  	_ =	shalt  }
0x3f: {  	_ =	shalt  }
0x40: {  	_ =	shalt  }
0x41: {  	_ =	shalt  }
0x42: {  	_ =	shalt  }
0x43: {  	_ =	shalt  }
0x44: {  	_ =	shalt  }
0x45: {  	_ =	shalt  }
0x46: {  	_ =	shalt  }
0x47: {  	_ =	shalt  }
0x48: {  	_ =	shalt  }
0x49: {  	_ =	shalt  }
0x4a: {  	_ =	shalt  }
0x4b: {  	_ =	shalt  }
0x4c: {  	_ =	shalt  }
0x4d: {  	_ =	shalt  }
0x4e: {  	_ =	shalt  }
0x4f: {  	_ =	shalt  }
0x50: {  	_ =	shalt  }
0x51: {  	_ =	shalt  }
0x52: {  	_ =	shalt  }
0x53: {  	_ =	shalt  }
0x54: {  	_ =	shalt  }
0x55: {  	_ =	shalt  }
0x56: {  	_ =	shalt  }
0x57: {  	_ =	shalt  }
0x58: {  	_ =	shalt  }
0x59: {  	_ =	shalt  }
0x5a: {  	_ =	shalt  }
0x5b: {  	_ =	shalt  }
0x5c: {  	_ =	shalt  }
0x5d: {  	_ =	shalt  }
0x5e: {  	_ =	shalt  }
0x5f: {  	_ =	shalt  }
0x60: {  	_ =	shalt  }
0x61: {  	_ =	shalt  }
0x62: {  	_ =	shalt  }
0x63: {  	_ =	shalt  }
0x64: {  	_ =	shalt  }
0x65: {  	_ =	shalt  }
0x66: {  	_ =	shalt  }
0x67: {  	_ =	shalt  }
0x68: {  	_ =	shalt  }
0x69: {  	_ =	shalt  }
0x6a: {  	_ =	shalt  }
0x6b: {  	_ =	shalt  }
0x6c: {  	_ =	shalt  }
0x6d: {  	_ =	shalt  }
0x6e: {  	_ =	shalt  }
0x6f: {  	_ =	shalt  }
0x70: {  	_ =	shalt  }
0x71: {  	_ =	shalt  }
0x72: {  	_ =	shalt  }
0x73: {  	_ =	shalt  }
0x74: {  	_ =	shalt  }
0x75: {  	_ =	shalt  }
0x76: {  	_ =	shalt  }
0x77: {  	_ =	shalt  }
0x78: {  	_ =	shalt  }
0x79: {  	_ =	shalt  }
0x7a: {  	_ =	shalt  }
0x7b: {  	_ =	shalt  }
0x7c: {  	_ =	shalt  }
0x7d: {  	_ =	shalt  }
0x7e: {  	_ =	shalt  }
0x7f: {  	_ =	shalt  }
0x80: {  	_ =	shalt  }
0x81: {  	_ =	shalt  }
0x82: {  	_ =	shalt  }
0x83: {  	_ =	shalt  }
0x84: {  	_ =	shalt  }
0x85: {  	_ =	shalt  }
0x86: {  	_ =	shalt  }
0x87: {  	_ =	shalt  }
.Lfunc_end0:
.L_simem_size_0:
called_computation.2_lowered:
.L_overlay_start_0:
0x88: {  	s2 =	sld [smem:$0x3FD9]  }
0x89: {  	s3 =	sld [smem:$0x3FFE];
	_ =	sdelay $0x1  }
0x8a: {  	s1 =	srdreg.scid  }
0x8b: {  	s0 =	sand.u32 $0x1, s1  }
0x8c: {  	s17 =	sshll.u32 s0, $0xA;
	s2 =	sadd.s32 s3, s2  }
0x8d: {  	s2 =	sadd.s32 s2, s17  }
0x8e: {  	[smem:$0x3FC2] =	sst s2  }
0x8f: {  	_ = 	snop  }
0x90: {  	s2 =	sld [smem:$0x3FD0];
	(tm) =	ssettm $0x1  }
0x91: {  	s18 =	sld [smem:$0x3FFB];
	_ =	sdelay $0x3  }
0x92: {  	_ =	strace s18  }
0x93: {  	s3 =	sld [smem:$0x3FFC];
	_ =	sdelay $0x3  }
0x94: {  	_ =	strace s3  }
0x95: {  	s3 =	sld [smem:$0x3FFD];
	_ =	sdelay $0x3  }
0x96: {  	_ =	strace s3  }
0x97: {  	_ =	strace $0x8FFFFFFF  }
0x98: {  	s19 =	sld [smem:$0x3FDB];
	_ =	sdelay $0x1  }
0x99: {  	s4 =	simm.s32 $_scs_section_size  }
0x9a: {  	s5 =	simm.s32 $_size__tile_overlayer_lowered;
	s6 =	simm.s32 $_tile_overlayer_lowered  }
0x9b: {  	s22 =	simm.s32 $0x1BFF;
	s21 =	sshll.u32 s6, $0x1;
	s3 =	sadd.s32 s4, s19  }
0x9c: {  	s7 =	simm.s32 $0x0;
	s20 =	sshll.u32 s5, $0x1;
	s5 =	sadd.s32 s21, s3  }
0x9d: {  	[timem:s7], [sflag:s22] =	dma.local [hbm:s5], s20  }
0x9e: {  	_ =	swait.ge [sflag:s22], s20  }
0x9f: {  	s4 =	ssub.s32 $0x0, s20;
	[sflag:s22] =	ssyncset.done $0x0  }
0xa0: {  	[sflag:s22] =	ssyncadd.s32 s4;
	_ =	sdelay $0x1  }
0xa1: {  	s23 =	simm.s32 $0x1B8B  }
0xa2: {  	_ =	swait.ge [sflag:s23], $0x1  }
0xa3: {  	[sflag:s23] =	ssyncset.done $0x0  }
0xa4: {  	s25 =	simm.s32 $0x1B8E;
	s24 =	sld [smem:$0x3FFE];
	[sflag:s23] =	ssyncadd.s32 $0xFFFFFFFF  }
0xa5: {  	s26 =	simm.s32 $execute0_lowered;
	[smem:$0x3FD2] =	sst s25  }
0xa6: {  	s5 =	sshll.u32 s26, $0x1;
	_ =	strace $0x8000004C;
	[dreg:$0x1] =	wrdreg $0xFFFFFFFF  }
0xa7: {  	s28 =	simm.s32 $_size_execute0_lowered;
	s3 =	sadd.s32 s3, s5;
	[dreg:$0x0] =	wrdreg $0x0  }
0xa8: {  	s5 =	sshll.u32 s28, $0x1;
	[dreg:$0x2] =	wrdreg s3  }
0xa9: {  	[dreg:$0x3] =	wrdreg s5  }
0xaa: {  	[dreg:$0x4] =	wrdreg $0xC0  }
0xab: {  	_ =	task [dreg:s7], $0x5FFFF  }
0xac: {  	[dreg:$0x1] =	wrdreg $0xFFFFFFFF  }
0xad: {  	[dreg:$0x0] =	wrdreg $0x60  }
0xae: {  	[dreg:$0x2] =	wrdreg s24  }
0xaf: {  	[dreg:$0x3] =	wrdreg s2  }
0xb0: {  	[dreg:$0x4] =	wrdreg $0x90000  }
0xb1: {  	[dreg:$0x5] =	wrdreg $0x9  }
0xb2: {  	_ =	task.clear_ibuf [dreg:s7], $0x6FFFF;
	_ =	strace $0x9000004C  }
0xb3: {  	s29 =	simm.s32 $0x9;
	_ =	strace $0x8000004E  }
0xb4: {  	_ =	swait.ge [sflag:s29], $0x1  }
0xb5: {  	[sflag:s29] =	ssyncadd.s32 $0xFFFFFFFF  }
0xb6: {  	_ =	strace $0x9000004E  }
0xb7: {  	_ =	sfence  }
0xb8: {  	s30 =	sld [smem:$0x0];
	_ =	sdelay $0x2  }
0xb9: {  	s31 =	sshll.u32 s1, $0xD;
	s1 =	sshrl.u32 s1, $0x2  }
0xba: {  	s3 =	sand.u32 $0x4000, s31;
	s1 =	sadd.s32 s1, s30  }
0xbb: {  	s0 =	sor.u32 s3, s0;
	s1 =	sshll.u32 s1, $0x11  }
0xbc: {  	s0 =	sor.u32 s1, s0  }
0xbd: {  	s0 =	sadd.s32 $0x8F2B, s0  }
0xbe: {  	[sflag:s0] =	ssyncadd.remote.s32 $0x1  }
0xbf: {  	_ =	sfence.sel $0xFFFF  }
0xc0: {  	[dreg:$0x0] =	wrdreg $0xFFFFFFFF;
	(pc) =	sbr.abs _section_cstart, $3  }
0xc1: {  	[dreg:$0x1] =	wrdreg $0xFFFFFFFF  }
0xc2: {  	_ =	task.clear_ibuf [dreg:s7], $0x2FFFF;
	_ =	strace $0x9FFFFFFF  }
0xc3: {  	(tm) =	ssettm $0x7FFFFFFF  }
tec
execute0_lowered:
.L_overlay_start_1:
0x0: {  	(tag) =	ssettag $0x1  }
0x1: {  	s7 =	rddreg [dreg:$0x0]  }
0x2: {  	s8 =	rddreg [dreg:$0x1]  }
0x3: {  	s0 =	srdreg.scid;
	s2 =	rddreg [dreg:$0x2]  }
0x4: {  	s3 =	simm.s32 $0x0;
	s14 =	simm.s32 $0x80;
	s15 =	simm.s32 $0x5000  }
0x5: {  	s16 =	simm.s32 $0x1;
	s6 =	sand.u32 $0x1, s0;
	s0 =	stileid.u32  }
0x6: {  	s17 =	simm.s32 $0x0;
	[smem:$0x7FF] =	sst s3;
	s5 =	smul.u32 $0x140000, s6  }
0x7: {  	s4 =	sadd.s32 $0x20800, s7;
	s1 =	sshll.u32 s6, $0x4;
	s10 =	smul.u32 $0x14000, s0  }
0x8: {  	s12 =	smul.u32 $0x50000, s0;
	s6 =	ssub.s32 $0x2, s6;
	s1 =	sor.u32 s0, s1  }
0x9: {  	s31 =	sshll.u32 s0, $0x6;
	s30 =	sshrl.u32 s6, $0x1;
	s9 =	smul.u32 $0x500, s1  }
0xa: {  	s1 =	rddreg [dreg:$0x3];
	_ =	strace $0x8000004D;
	s10 =	sadd.s32 s10, s5  }
0xb: {  	s5 =	sadd.s32 $0x2A00, s7;
	s12 =	sshrl.u32 s12, $0x2;
	s13 =	ssub.s32 s6, s30  }
0xc: {  	s6 =	sor.u32 $0x1C02, s31;
	s10 =	sshrl.u32 s10, $0x3;
	s12 =	sadd.s32 s12, s2  }
0xd: {  	s11 =	sadd.s32 s9, s7;
	s10 =	sadd.s32 s10, s7;
	s7 =	sadd.s32 s8, s9  }
0xe: {  	s8 =	sadd.s32 $0x16800, s11;
	s9 =	sadd.s32 $0x48800, s10;
	s10 =	smax.u32 s13, $0x1  }
0xf: {  	s11 =	sshrl.u32 s12, $0x3;
	s12 =	simm.s32 $0x2;
	s13 =	simm.s32 $0x2800  }
.LBB2_1:
0x10: {  	[spmem:s11], [sflag:s6] =	dma.local [hbm:s5], $0x2800  }
0x11: {  	_ =	swait.ge [sflag:s12], $0x2800  }
0x12: {  	[sflag:s12] =	ssyncset.done $0x0  }
0x13: {  	[sflag:s12] =	ssyncadd.s32 $0xFFFFD800  }
0x14: {  	[tilespmem:s3], [sflag:$0x2] =	stream.linear.gather [hbm4b:s7+s3], $0x2780, $0x38;
	[tilespmem:$0x1D000] =	vst v63  }
0x15: {  	_ =	swait.ge [sflag:s12], $0x2780  }
0x16: {  	[sflag:s12] =	ssyncset.done $0x0  }
0x17: {  	[sflag:s12] =	ssyncadd.s32 $0xFFFFD880  }
0x18: {  	[tilespmem:s13], [sflag:$0x2] =	stream.linear.gather [hbm4b:s8+s3], $0x2780, $0x38;
	[tilespmem:$0x1D000] =	vst v63  }
0x19: {  	_ =	swait.ge [sflag:s12], $0x2780  }
0x1a: {  	[sflag:s12] =	ssyncset.done $0x0  }
0x1b: {  	[sflag:s12] =	ssyncadd.s32 $0xFFFFD880  }
0x1c: {  	s18 =	simm.s32 $0x0;
	[bflag:$0x0] =	sbarrier.arrive $0xFFFF  }
0x1d: {  	[tilespmem:s15], [sflag:$0x1] =	stream.indirect.gather [hbm4b:s4+s14], $0x80, s18, s14, $0xb8;
	[tilespmem:$0x1D000] =	vst v63  }
0x1e: {  	_ =	swait.ge [sflag:s16], $0x4000  }
0x1f: {  	[sflag:s16] =	ssyncset.done $0x0  }
0x20: {  	s31 =	simm.s32 $0x2800;
	[sflag:s16] =	ssyncadd.s32 $0xFFFFC000  }
0x21: {  	[spmem:s2] =	stream.indirect.scatter.add.f32 [tilespmem:s15], [sflag:$0x2], $0x80, s31, s14, $0xb8;
	[tilespmem:$0x1D000] =	vst v63  }
0x22: {  	_ =	swait.ge [sflag:s12], $0x4000  }
0x23: {  	s19 =	simm.s32 $0x400;
	s18 =	simm.s32 $0x200;
	[sflag:s12] =	ssyncset.done $0x0  }
.LBB2_2:
0x24: {  	s20 =	sshra.s32 s18, $0x2  }
0x25: {  	[sflag:s12] =	ssyncadd.s32 $0xFFFFC000;
	s18 =	smov.u32 s19;
	s21 =	sadd.s32 $0x200, s19  }
0x26: {  	[tilespmem:s15], [sflag:$0x1] =	stream.indirect.gather [hbm4b:s4+s14], $0x80, s20, s14, $0xb8;
	[tilespmem:$0x1D000] =	vst v63  }
0x27: {  	p0 =	sne.s32 s19, $0x9C00;
	_ =	swait.ge [sflag:s16], $0x4000  }
.Ltmp0:
0x28: {  	[sflag:s16] =	ssyncset.done $0x0;
	(pc) =	sbr.rel @p0 .LBB2_2-.Ltmp0, $4  }
0x29: {  	s19 =	sadd.s32 $0x2800, s20;
	[sflag:s16] =	ssyncadd.s32 $0xFFFFC000  }
0x2a: {  	[spmem:s2] =	stream.indirect.scatter.add.f32 [tilespmem:s15], [sflag:$0x2], $0x80, s19, s14, $0xb8;
	[tilespmem:$0x1D000] =	vst v63  }
0x2b: {  	_ =	swait.ge [sflag:s12], $0x4000  }
0x2c: {  	s19 =	smov.u32 s21;
	[sflag:s12] =	ssyncset.done $0x0  }
0x2d: {  	s18 =	sshra.s32 s18, $0x2;
	[sflag:s12] =	ssyncadd.s32 $0xFFFFC000  }
0x2e: {  	[tilespmem:s15], [sflag:$0x1] =	stream.indirect.gather [hbm4b:s4+s14], $0x80, s18, s14, $0xb8;
	[tilespmem:$0x1D000] =	vst v63  }
0x2f: {  	_ =	swait.ge [sflag:s16], $0x4000  }
0x30: {  	[sflag:s16] =	ssyncset.done $0x0  }
0x31: {  	s18 =	sadd.s32 $0x2800, s18;
	[sflag:s16] =	ssyncadd.s32 $0xFFFFC000  }
0x32: {  	[spmem:s2] =	stream.indirect.scatter.add.f32 [tilespmem:s15], [sflag:$0x2], $0x80, s18, s14, $0xb8;
	[tilespmem:$0x1D000] =	vst v63  }
0x33: {  	_ =	swait.ge [sflag:s12], $0x4000  }
0x34: {  	s17 =	sadd.s32 $0x1, s17;
	[sflag:s12] =	ssyncset.done $0x0  }
0x35: {  	p0 =	sne.s32 s17, s10;
	[sflag:s12] =	ssyncadd.s32 $0xFFFFC000  }
.Ltmp1:
0x36: {  	[bflag:$0x0] =	sbarrier.arrive $0xFFFF;
	(pc) =	sbr.rel @p0 .LBB2_1-.Ltmp1, $4  }
0x37: {  	[hbm:s9], [sflag:s6] =	dma.local [spmem:s11], $0x2800  }
0x38: {  	_ =	swait.ge [sflag:s12], $0x2800  }
0x39: {  	[sflag:s12] =	ssyncset.done $0x0  }
0x3a: {  	[sflag:s12] =	ssyncadd.s32 $0xFFFFD800  }
0x3b: {  	_ =	sfence.sel $0x180000  }
0x3c: {  	[bflag:$0x0] =	sbarrier.arrive $0xFFFF  }
0x3d: {  	p0 =	sne.s32 s0, $0x0;
	_ =	strace $0x9000004D  }
0x3e: {  	s0 =	sadd.s32 @!p0 $0x100000, s1;
	[bflag:$0x2] =	sbarrier.arrive $0xFFFF  }
0x3f: {  	[sflag:s0] =	ssyncadd.tile.s32 @!p0 $0x1;
	_ =	shalt  }
.Lfunc_end2:
_tile_overlayer_lowered:
.L_overlay_start_2:
0x40: {  	(tag) =	ssettag $0x2  }
0x41: {  	s0 =	rddreg [dreg:$0x0];
	s2 =	stileid.u32  }
0x42: {  	s1 =	rddreg [dreg:$0x1];
	p0 =	sne.s32 s2, $0x0  }
0x43: {  	s3 =	rddreg [dreg:$0x2];
	[bflag:$0x3] =	sbarrier.arrive $0xFFFF;
	s2 =	simm.s32 @!p0 $0x1C02  }
0x44: {  	[timem:s3], [sflag:s2] =	dma.local @!p0 [hbm:s0], s1  }
0x45: {  	s0 =	simm.s32 @!p0 $0x2  }
0x46: {  	_ =	swait.ge @!p0 [sflag:s0], s1  }
0x47: {  	s1 =	ssub.s32 @!p0 $0x0, s1;
	[sflag:s0] =	ssyncset.done @!p0 $0x0  }
0x48: {  	[sflag:s0] =	ssyncadd.s32 @!p0 s1  }
0x49: {  	[bflag:$0x3] =	sbarrier.arrive $0xFFFF  }
0x4a: {  	_ =	shalt  }

// kernel: _run.8.cloned.1.call-start
scs
__scs_entry_jumppad:
0x0: {  	(pc) =	sbr.rel $0x88, $3  }
0x1: {  	(tag) =	ssettag $0x0;
	lr =	simm.s32 $0x1  }
0x2: {  	[smem:$0x3F9B] =	sst lr;
	_ =	strace $0xD0000000  }
0x3: {  	_ = 	snop  }
0x4: {  	_ = 	snop  }
0x5: {  	_ = 	snop  }
0x6: {  	_ = 	snop  }
0x7: {  	_ = 	snop  }
__scs_overlays_trampoline_lowered:
0x8: {  	[smem:$0x3FAA] =	sst s0  }
0x9: {  	[smem:$0x3FAB] =	sst s1  }
0xa: {  	[smem:$0x3FAC] =	sst s2  }
0xb: {  	[smem:$0x3FAD] =	sst s3  }
0xc: {  	[smem:$0x3FAE] =	sst s4  }
0xd: {  	[smem:$0x3FAF] =	sst s5  }
0xe: {  	[smem:$0x3FB0] =	sst s6  }
0xf: {  	[smem:$0x3FB1] =	sst s7  }
0x10: {  	[smem:$0x3FB2] =	sst s8  }
0x11: {  	[smem:$0x3FB3] =	sst s9;
	s0 =	simm.s32 @!p0 $0x0  }
0x12: {  	s1 =	sld [smem:$0x3F99];
	s0 =	simm.s32 @p0 $0x1  }
0x13: {  	[smem:$0x3FB4] =	sst s0;
	s0 =	simm.s32 @!p1 $0x0  }
0x14: {  	s2 =	sld [smem:$0x3F98];
	s0 =	simm.s32 @p1 $0x1  }
0x15: {  	[smem:$0x3FB5] =	sst s0;
	s0 =	simm.s32 @!p2 $0x0  }
0x16: {  	s3 =	sld [smem:$0x3FDB];
	s0 =	simm.s32 @p2 $0x1  }
0x17: {  	s4 =	simm.s32 $0x1BF5;
	[smem:$0x3FB7] =	sst s0  }
0x18: {  	s0 =	sld [smem:$0x3F9A];
	_ =	swait.ge [sflag:s4], $0x0  }
0x19: {  	s7 =	sld [smem:$0x3F9B]  }
0x1a: {  	s8 =	sadd.s32 $0xFFFFE003, lr  }
0x1b: {  	s9 =	sadd.s32 $0xFFFFFEF7, lr;
	s5 =	simm.s32 $0xFFFFFFFF;
	p2 =	slt.u32 s8, $0xFFFFF086  }
0x1c: {  	p1 =	slt.u32 s9, $0xF7A;
	s5 =	simm.s32 @!p2 $0x0  }
0x1d: {  	s5 =	simm.s32 @p1 $0x1;
	p0 =	seq.s32 s7, s2  }
0x1e: {  	s7 =	smul.u32 @!p0 $0xF7A, s2;
	p2 =	seq.s32 @!p0 s5, $0x0  }
0x1f: {  	s9 =	smul.u32 $0xF7A, s1;
	s8 =	simm.s32 @!p0 $0x1BF5;
	p2 =	por !p2, p0  }
0x20: {  	[sflag:s8] =	ssyncset.s32 @!p0 $0xFFFFF086;
	s6 =	sadd.s32 @!p0 s3, s7;
	s7 =	simm.s32 @!p0 $0x108  }
0x21: {  	s3 =	sadd.s32 s3, s9;
	s6 =	sadd.s32 @!p0 $0x88, s6;
	s7 =	simm.s32 @p2 $0x1082  }
0x22: {  	[simem:s7], [sflag:s8] =	dma.local @!p0 [hbm:s6], $0xF7A  }
0x23: {  	s9 =	sor.u32 $0xD0000000, s2;
	s6 =	simm.s32 $0x108;
	_ =	swait.ge @!p0 [sflag:s8], $0x0  }
0x24: {  	s3 =	sadd.s32 $0x88, s3;
	s6 =	simm.s32 @!p1 $0x1082;
	[sflag:s4] =	ssyncset.s32 $0xFFFFF086  }
0x25: {  	[simem:s6], [sflag:s4] =	dma.local [hbm:s3], $0xF7A  }
0x26: {  	[smem:$0x3F9B] =	sst s1;
	(tag) =	ssettag s2;
	_ =	strace s9  }
0x27: {  	s1 =	sld [smem:$0x3FAB]  }
0x28: {  	s2 =	sld [smem:$0x3FAC]  }
0x29: {  	s4 =	sld [smem:$0x3FAE]  }
0x2a: {  	p0 =	seq.s32 s5, $0x0;
	s5 =	sld [smem:$0x3FAF]  }
0x2b: {  	s6 =	sld [smem:$0x3FB0]  }
0x2c: {  	s7 =	sld [smem:$0x3FB1]  }
0x2d: {  	s3 =	simm.s32 $0x108;
	s8 =	sld [smem:$0x3FB2]  }
0x2e: {  	s3 =	simm.s32 @!p0 $0x1082;
	s9 =	sld [smem:$0x3FB3]  }
0x2f: {  	lr =	sadd.s32 s0, s3;
	s0 =	sld [smem:$0x3FAA]  }
0x30: {  	s3 =	sld [smem:$0x3FAD]  }
0x31: {  	[smem:$0x3FB6] =	sst s10  }
0x32: {  	s10 =	sld [smem:$0x3FB4];
	_ =	sdelay $0x3  }
0x33: {  	p0 =	seq.s32 s10, $0x1;
	s10 =	sld [smem:$0x3FB6];
	_ =	sdelay $0x3  }
0x34: {  	[smem:$0x3FB6] =	sst s10  }
0x35: {  	s10 =	sld [smem:$0x3FB5];
	_ =	sdelay $0x3  }
0x36: {  	p1 =	seq.s32 s10, $0x1;
	s10 =	sld [smem:$0x3FB6];
	_ =	sdelay $0x3  }
0x37: {  	[smem:$0x3FB6] =	sst s10  }
0x38: {  	s10 =	sld [smem:$0x3FB7]  }
0x39: {  	_ = 	snop;
	(pc) =	sbr.ind lr, $3  }
0x3a: {  	_ = 	snop  }
0x3b: {  	_ = 	snop  }
0x3c: {  	p2 =	seq.s32 s10, $0x1;
	s10 =	sld [smem:$0x3FB6]  }
0x3d: {  	_ =	shalt  }
0x3e: {  	_ =	shalt  }
0x3f: {  	_ =	shalt  }
0x40: {  	_ =	shalt  }
0x41: {  	_ =	shalt  }
0x42: {  	_ =	shalt  }
0x43: {  	_ =	shalt  }
0x44: {  	_ =	shalt  }
0x45: {  	_ =	shalt  }
0x46: {  	_ =	shalt  }
0x47: {  	_ =	shalt  }
0x48: {  	_ =	shalt  }
0x49: {  	_ =	shalt  }
0x4a: {  	_ =	shalt  }
0x4b: {  	_ =	shalt  }
0x4c: {  	_ =	shalt  }
0x4d: {  	_ =	shalt  }
0x4e: {  	_ =	shalt  }
0x4f: {  	_ =	shalt  }
0x50: {  	_ =	shalt  }
0x51: {  	_ =	shalt  }
0x52: {  	_ =	shalt  }
0x53: {  	_ =	shalt  }
0x54: {  	_ =	shalt  }
0x55: {  	_ =	shalt  }
0x56: {  	_ =	shalt  }
0x57: {  	_ =	shalt  }
0x58: {  	_ =	shalt  }
0x59: {  	_ =	shalt  }
0x5a: {  	_ =	shalt  }
0x5b: {  	_ =	shalt  }
0x5c: {  	_ =	shalt  }
0x5d: {  	_ =	shalt  }
0x5e: {  	_ =	shalt  }
0x5f: {  	_ =	shalt  }
0x60: {  	_ =	shalt  }
0x61: {  	_ =	shalt  }
0x62: {  	_ =	shalt  }
0x63: {  	_ =	shalt  }
0x64: {  	_ =	shalt  }
0x65: {  	_ =	shalt  }
0x66: {  	_ =	shalt  }
0x67: {  	_ =	shalt  }
0x68: {  	_ =	shalt  }
0x69: {  	_ =	shalt  }
0x6a: {  	_ =	shalt  }
0x6b: {  	_ =	shalt  }
0x6c: {  	_ =	shalt  }
0x6d: {  	_ =	shalt  }
0x6e: {  	_ =	shalt  }
0x6f: {  	_ =	shalt  }
0x70: {  	_ =	shalt  }
0x71: {  	_ =	shalt  }
0x72: {  	_ =	shalt  }
0x73: {  	_ =	shalt  }
0x74: {  	_ =	shalt  }
0x75: {  	_ =	shalt  }
0x76: {  	_ =	shalt  }
0x77: {  	_ =	shalt  }
0x78: {  	_ =	shalt  }
0x79: {  	_ =	shalt  }
0x7a: {  	_ =	shalt  }
0x7b: {  	_ =	shalt  }
0x7c: {  	_ =	shalt  }
0x7d: {  	_ =	shalt  }
0x7e: {  	_ =	shalt  }
0x7f: {  	_ =	shalt  }
0x80: {  	_ =	shalt  }
0x81: {  	_ =	shalt  }
0x82: {  	_ =	shalt  }
0x83: {  	_ =	shalt  }
0x84: {  	_ =	shalt  }
0x85: {  	_ =	shalt  }
0x86: {  	_ =	shalt  }
0x87: {  	_ =	shalt  }
.Lfunc_end0:
.L_simem_size_0:
called_computation_lowered:
.L_overlay_start_0:
0x88: {  	s2 =	sld [smem:$0x3FD9]  }
0x89: {  	s3 =	sld [smem:$0x3FFE];
	_ =	sdelay $0x1  }
0x8a: {  	s1 =	srdreg.scid  }
0x8b: {  	s0 =	sand.u32 $0x1, s1  }
0x8c: {  	s16 =	sshll.u32 s0, $0xA;
	s2 =	sadd.s32 s3, s2  }
0x8d: {  	s2 =	sadd.s32 s2, s16  }
0x8e: {  	[smem:$0x3FC2] =	sst s2  }
0x8f: {  	_ = 	snop  }
0x90: {  	(tm) =	ssettm $0x1  }
0x91: {  	s17 =	sld [smem:$0x3FFB];
	_ =	sdelay $0x3  }
0x92: {  	_ =	strace s17  }
0x93: {  	s2 =	sld [smem:$0x3FFC];
	_ =	sdelay $0x3  }
0x94: {  	_ =	strace s2  }
0x95: {  	s2 =	sld [smem:$0x3FFD];
	_ =	sdelay $0x3  }
0x96: {  	_ =	strace s2  }
0x97: {  	_ =	strace $0x8FFFFFFF  }
0x98: {  	s18 =	sld [smem:$0x3FDB];
	_ =	sdelay $0x1  }
0x99: {  	s19 =	simm.s32 $_scs_section_size  }
0x9a: {  	s4 =	simm.s32 $_size__tile_overlayer_lowered;
	s5 =	simm.s32 $_tile_overlayer_lowered  }
0x9b: {  	s22 =	simm.s32 $0x1BFF;
	s21 =	sshll.u32 s5, $0x1;
	s2 =	sadd.s32 s19, s18  }
0x9c: {  	s6 =	simm.s32 $0x0;
	s20 =	sshll.u32 s4, $0x1;
	s4 =	sadd.s32 s21, s2  }
0x9d: {  	[timem:s6], [sflag:s22] =	dma.local [hbm:s4], s20  }
0x9e: {  	_ =	swait.ge [sflag:s22], s20  }
0x9f: {  	s3 =	ssub.s32 $0x0, s20;
	[sflag:s22] =	ssyncset.done $0x0  }
0xa0: {  	[sflag:s22] =	ssyncadd.s32 s3;
	_ =	sdelay $0x1  }
0xa1: {  	s23 =	simm.s32 $0x1B8B  }
0xa2: {  	_ =	swait.ge [sflag:s23], $0x1  }
0xa3: {  	[sflag:s23] =	ssyncset.done $0x0  }
0xa4: {  	s25 =	simm.s32 $0x1B8E;
	s24 =	sld [smem:$0x3FFE];
	[sflag:s23] =	ssyncadd.s32 $0xFFFFFFFF  }
0xa5: {  	s26 =	simm.s32 $execute0_lowered;
	[smem:$0x3FD2] =	sst s25  }
0xa6: {  	s4 =	sshll.u32 s26, $0x1;
	_ =	strace $0x80000046;
	[dreg:$0x1] =	wrdreg $0xFFFFFFFF  }
0xa7: {  	s28 =	simm.s32 $_size_execute0_lowered;
	s2 =	sadd.s32 s2, s4;
	[dreg:$0x0] =	wrdreg $0x0  }
0xa8: {  	s4 =	sshll.u32 s28, $0x1;
	[dreg:$0x2] =	wrdreg s2  }
0xa9: {  	[dreg:$0x3] =	wrdreg s4  }
0xaa: {  	[dreg:$0x4] =	wrdreg $0xC0  }
0xab: {  	_ =	task [dreg:s6], $0x5FFFF  }
0xac: {  	[dreg:$0x1] =	wrdreg $0xFFFFFFFF  }
0xad: {  	[dreg:$0x0] =	wrdreg $0x60  }
0xae: {  	[dreg:$0x2] =	wrdreg s24  }
0xaf: {  	[dreg:$0x3] =	wrdreg $0x9  }
0xb0: {  	_ =	task.clear_ibuf [dreg:s6], $0x4FFFF;
	_ =	strace $0x90000046  }
0xb1: {  	s29 =	simm.s32 $0x9;
	_ =	strace $0x80000048  }
0xb2: {  	_ =	swait.ge [sflag:s29], $0x1  }
0xb3: {  	[sflag:s29] =	ssyncadd.s32 $0xFFFFFFFF  }
0xb4: {  	_ =	strace $0x90000048  }
0xb5: {  	_ =	sfence  }
0xb6: {  	s30 =	sld [smem:$0x0];
	_ =	sdelay $0x2  }
0xb7: {  	s31 =	sshll.u32 s1, $0xD;
	s1 =	sshrl.u32 s1, $0x2  }
0xb8: {  	s3 =	sand.u32 $0x4000, s31;
	s1 =	sadd.s32 s1, s30  }
0xb9: {  	s0 =	sor.u32 s3, s0;
	s1 =	sshll.u32 s1, $0x11  }
0xba: {  	s0 =	sor.u32 s1, s0  }
0xbb: {  	s0 =	sadd.s32 $0x8F2B, s0  }
0xbc: {  	[sflag:s0] =	ssyncadd.remote.s32 $0x1  }
0xbd: {  	_ =	sfence.sel $0xFFFF  }
0xbe: {  	[dreg:$0x0] =	wrdreg $0xFFFFFFFF;
	(pc) =	sbr.abs _section_cstart, $3  }
0xbf: {  	[dreg:$0x1] =	wrdreg $0xFFFFFFFF  }
0xc0: {  	_ =	task.clear_ibuf [dreg:s6], $0x2FFFF;
	_ =	strace $0x9FFFFFFF  }
0xc1: {  	(tm) =	ssettm $0x7FFFFFFF  }
tec
execute0_lowered:
.L_overlay_start_1:
0x0: {  	(tag) =	ssettag $0x1  }
0x1: {  	s0 =	srdreg.scid  }
0x2: {  	s3 =	sand.u32 $0x1, s0  }
0x3: {  	s4 =	rddreg [dreg:$0x0];
	s0 =	stileid.u32;
	s1 =	sshll.u32 s3, $0x4  }
0x4: {  	s2 =	simm.s32 $0x0;
	s8 =	simm.s32 $0x1;
	s1 =	sor.u32 s0, s1  }
0x5: {  	s9 =	simm.s32 $0x2780;
	s10 =	simm.s32 $0x0;
	s5 =	sshrl.u32 s1, $0x3  }
0x6: {  	[smem:$0x7FF] =	sst s2;
	s7 =	sshll.u32 s0, $0x7;
	s6 =	smul.u32 $0x13C00, s5  }
0x7: {  	s3 =	ssub.s32 $0x2, s3;
	s7 =	sand.u32 $0x380, s7;
	s5 =	smul.u32 $0x14000, s5  }
0x8: {  	s31 =	sshrl.u32 s3, $0x1;
	s1 =	rddreg [dreg:$0x1];
	s6 =	sor.u32 s7, s6  }
0x9: {  	_ =	strace $0x80000047;
	s5 =	sor.u32 s7, s5;
	s6 =	sshrl.u32 s6, $0x3  }
0xa: {  	s7 =	simm.s32 $0x400;
	s5 =	sshrl.u32 s5, $0x3;
	s6 =	sadd.s32 s6, s4  }
0xb: {  	s4 =	sadd.s32 s5, s4;
	s5 =	ssub.s32 s3, s31;
	s3 =	sadd.s32 $0x2A00, s6  }
0xc: {  	v0 =	vimm.f32 $0.0e+00;
	v1 =	vimm.f32 $1.000000000e+00;
	s4 =	sadd.s32 $0xC800, s4;
	s5 =	smax.u32 s5, $0x1;
	s6 =	simm.s32 $0x80  }
.LBB2_1:
0xd: {  	[tilespmem:s2], [sflag:$0x1] =	stream.strided.gather [hbm4b:s3+s6], $0x2780, s7, s6, $0x38;
	[tilespmem:$0x4F80] =	vst v63  }
0xe: {  	_ =	swait.ge [sflag:s8], $0x2780  }
0xf: {  	[sflag:s8] =	ssyncset.done $0x0  }
0x10: {  	s11 =	simm.s32 $0x0;
	[sflag:s8] =	ssyncadd.s32 $0xFFFFD880  }
.LBB2_2:
0x11: {  	p0 =	sne.s32 s11, $0x9FC0  }
.Ltmp0:
0x12: {  	_ = 	snop;
	(pc) =	sbr.rel @p0 .LBB2_2-.Ltmp0, $3  }
0x13: {  	_ =	sdelay $0x1  }
0x14: {  	s12 =	sshra.s32 s11, $0x2  }
0x15: {  	s11 =	sadd.s32 $0x40, s11;
	[tilespmem:s12+$0x2780] =	vst v0  }
0x16: {  	s12 =	simm.s32 $0x0;
	s11 =	simm.s32 $0x40  }
.LBB2_4:
0x17: {  	p0 =	sne.s32 s11, $0x9DC0;
	v2 =	vld [tilespmem:s12+$0x0];
	_ =	sdelay $0x3  }
.Ltmp1:
0x18: {  	(pc) =	sbr.rel @p0 .LBB2_4-.Ltmp1, $2  }
0x19: {  	_ =	sdelay $0x2  }
0x1a: {  	s12 =	sshra.s32 s11, $0x2;
	s11 =	sadd.s32 $0x40, s11;
	[tilespmem:v2+s9+$0x0] =	vst.idx.add.f32.msk $0xffff, v1  }
0x1b: {  	v2 =	vld [tilespmem:s12+$0x0];
	_ =	sdelay $0x5  }
0x1c: {  	s10 =	sadd.s32 $0x1, s10  }
0x1d: {  	p0 =	sne.s32 s10, s5  }
.Ltmp2:
0x1e: {  	[tilespmem:v2+s9+$0x0] =	vst.idx.add.f32.msk $0xffff, v1;
	(pc) =	sbr.rel @p0 .LBB2_1-.Ltmp2, $4  }
0x1f: {  	[hbm4b:s4+s6] =	stream.strided.scatter [tilespmem:s9], [sflag:$0x1], $0x2800, s7, s6, $0x38;
	[tilespmem:$0x4F80] =	vst v63  }
0x20: {  	_ =	swait.ge [sflag:s8], $0x2800  }
0x21: {  	[sflag:s8] =	ssyncset.done $0x0  }
0x22: {  	[sflag:s8] =	ssyncadd.s32 $0xFFFFD800  }
0x23: {  	_ =	sfence.sel $0x180000  }
0x24: {  	[bflag:$0x0] =	sbarrier.arrive $0xFFFF  }
0x25: {  	p0 =	sne.s32 s0, $0x0;
	_ =	strace $0x90000047  }
0x26: {  	s0 =	sadd.s32 @!p0 $0x100000, s1;
	[bflag:$0x2] =	sbarrier.arrive $0xFFFF  }
0x27: {  	[sflag:s0] =	ssyncadd.tile.s32 @!p0 $0x1;
	_ =	shalt  }
.Lfunc_end2:
_tile_overlayer_lowered:
.L_overlay_start_2:
0x28: {  	(tag) =	ssettag $0x2  }
0x29: {  	s0 =	rddreg [dreg:$0x0];
	s2 =	stileid.u32  }
0x2a: {  	s1 =	rddreg [dreg:$0x1];
	p0 =	sne.s32 s2, $0x0  }
0x2b: {  	s3 =	rddreg [dreg:$0x2];
	[bflag:$0x3] =	sbarrier.arrive $0xFFFF;
	s2 =	simm.s32 @!p0 $0x1C01  }
0x2c: {  	[timem:s3], [sflag:s2] =	dma.local @!p0 [hbm:s0], s1  }
0x2d: {  	s0 =	simm.s32 @!p0 $0x1  }
0x2e: {  	_ =	swait.ge @!p0 [sflag:s0], s1  }
0x2f: {  	s1 =	ssub.s32 @!p0 $0x0, s1;
	[sflag:s0] =	ssyncset.done @!p0 $0x0  }
0x30: {  	[sflag:s0] =	ssyncadd.s32 @!p0 s1  }
0x31: {  	[bflag:$0x3] =	sbarrier.arrive $0xFFFF  }
0x32: {  	_ =	shalt  }

</sc_bundles>
